<compile_context>
chip_gen: v7x
topology: tpu7x:2x2x1
jax: 0.10.2.dev20260603
libtpu: 0.0.44.dev20260713+nightly
codegen_flags: <defaults>
</compile_context>

<pallas_src>
import functools

import jax
import jax.numpy as jnp
from jax import lax
from jax.experimental import pallas as pl
from jax.experimental.pallas import tpu as pltpu
from jax.experimental.pallas import tpu_sc as plsc

_NC = 2
_NS = 16
_G = 40
_ZR = 32
_NB = 7
_NI = 8
_ZR2 = 8


def _sc_accumulate(src, recv, ds_out):
    e_total = src.shape[0]
    n, d = ds_out.shape
    nw = _NC * _NS
    e_per_tile = e_total // nw
    n_chunks = e_per_tile // _G
    n_pad = ((n + 127) // 128) * 128
    rows_per_tile = n_pad // _NS
    n_zero = rows_per_tile // _ZR2

    mesh = plsc.VectorSubcoreMesh(core_axis_name="c", subcore_axis_name="s")

    @functools.partial(
        pl.kernel,
        out_type=(
            jax.ShapeDtypeStruct((_NC, n_pad, d), jnp.float32),
            jax.ShapeDtypeStruct((nw * n_pad,), jnp.float32),
        ),
        mesh=mesh,
        compiler_params=pltpu.CompilerParams(needs_layout_passes=False),
        scratch_types=[
            pltpu.VMEM((_NI, _G), jnp.int32),
            pltpu.VMEM((_NI, _G), jnp.int32),
            pltpu.VMEM((_NB, _G, d), jnp.float32),
            pltpu.VMEM((_ZR2, d), jnp.float32),
            pltpu.VMEM((n_pad,), jnp.float32),
            pltpu.VMEM_SHARED((n_pad, d), jnp.float32),
            pltpu.SemaphoreType.DMA((_NI,)),
            pltpu.SemaphoreType.DMA((_NB,)),
            pltpu.SemaphoreType.DMA((_NB,)),
            pltpu.SemaphoreType.DMA,
        ],
    )
    def accumulate(src_hbm, recv_hbm, dsout_hbm, pmsg_hbm, cnt_hbm,
                   sidx, ridx, rows, zb, lhist, msg_sh, isem, gsem, ssem,
                   zsem):
        c = lax.axis_index("c")
        s = lax.axis_index("s")
        wid = s * _NC + c

        z16 = jnp.zeros((16,), jnp.float32)
        o16 = jnp.ones((16,), jnp.float32)

        def fill_z(i, carry):
            for j in range(d // 16):
                zb[i, pl.ds(j * 16, 16)] = z16
            return carry

        lax.fori_loop(0, _ZR2, fill_z, 0)

        def fill_h(i, carry):
            lhist[pl.ds(i * 16, 16)] = z16
            return carry

        lax.fori_loop(0, n_pad // 16, fill_h, 0)

        row0 = s * rows_per_tile

        def zero_start(k, carry):
            pltpu.async_copy(zb, msg_sh.at[pl.ds(row0 + k * _ZR2, _ZR2)],
                             zsem)
            return carry

        lax.fori_loop(0, n_zero, zero_start, 0)

        ebase = wid * e_per_tile

        def start_idx(chunk, slot):
            off = ebase + chunk * _G
            pltpu.async_copy(src_hbm.at[pl.ds(off, _G)], sidx.at[slot],
                             isem.at[slot])
            pltpu.async_copy(recv_hbm.at[pl.ds(off, _G)], ridx.at[slot],
                             isem.at[slot])

        def wait_idx(chunk, slot):
            off = ebase + chunk * _G
            pltpu.make_async_copy(src_hbm.at[pl.ds(off, _G)], sidx.at[slot],
                                  isem.at[slot]).wait()
            pltpu.make_async_copy(recv_hbm.at[pl.ds(off, _G)], ridx.at[slot],
                                  isem.at[slot]).wait()

        def wait_scatter(slot, islot):
            pltpu.make_async_copy(rows.at[slot], msg_sh.at[ridx.at[islot]],
                                  ssem.at[slot]).wait()

        for k in range(6):
            start_idx(k, k)
        for k in range(4):
            wait_idx(k, k)
            pltpu.async_copy(dsout_hbm.at[sidx.at[k]], rows.at[k],
                             gsem.at[k])

        def zero_drain(k, carry):
            pltpu.make_async_copy(zb, msg_sh.at[pl.ds(row0, _ZR2)],
                                  zsem).wait()
            return carry

        lax.fori_loop(0, n_zero, zero_drain, 0)
        plsc.subcore_barrier()

        def edge_step(i, carry):
            b = lax.rem(i, _NB)
            bi = lax.rem(i, _NI)
            pltpu.make_async_copy(dsout_hbm.at[sidx.at[bi]], rows.at[b],
                                  gsem.at[b]).wait()
            pltpu.async_copy(rows.at[b], msg_sh.at[ridx.at[bi]], ssem.at[b],
                             add=True)

            @pl.when(i >= 2)
            def _():
                wait_scatter(lax.rem(i - 2, _NB), lax.rem(i - 2, _NI))

            @pl.when(i + 6 < n_chunks)
            def _():
                start_idx(i + 6, lax.rem(i + 6, _NI))

            @pl.when(i + 4 < n_chunks)
            def _():
                bn = lax.rem(i + 4, _NB)
                bni = lax.rem(i + 4, _NI)
                wait_idx(i + 4, bni)
                pltpu.async_copy(dsout_hbm.at[sidx.at[bni]], rows.at[bn],
                                 gsem.at[bn])

            for j in range(_G // 16):
                idx16 = ridx[bi, pl.ds(j * 16, 16)]
                plsc.addupdate_scatter(lhist, [idx16], o16)
            if _G % 16:
                tail = _G % 16
                idx16 = ridx[bi, pl.ds(_G - 16, 16)]
                m = lax.iota(jnp.int32, 16) >= (16 - tail)
                plsc.addupdate_scatter(lhist, [idx16], o16, mask=m)
            return carry

        lax.fori_loop(0, n_chunks, edge_step, 0)

        wait_scatter((n_chunks - 2) % _NB, (n_chunks - 2) % _NI)
        wait_scatter((n_chunks - 1) % _NB, (n_chunks - 1) % _NI)
        plsc.subcore_barrier()

        pltpu.sync_copy(msg_sh.at[pl.ds(row0, rows_per_tile)],
                        pmsg_hbm.at[c, pl.ds(row0, rows_per_tile)])
        pltpu.sync_copy(lhist, cnt_hbm.at[pl.ds(wid * n_pad, n_pad)])

    pmsg, cnt = accumulate(src, recv, ds_out)
    return pmsg, cnt.reshape(nw, n_pad)


def _combine_body(di_ref, pm_ref, pc_ref, o_ref):
    m = di_ref[...] + pm_ref[0] + pm_ref[1]
    den = 1.0 + jnp.sum(pc_ref[...], axis=1, keepdims=True)
    o_ref[...] = m / den


def _combine(ds_in, pmsg, pcnt_t):
    n, d = ds_in.shape
    br = 1000
    nw = pcnt_t.shape[1]
    return pl.pallas_call(
        _combine_body,
        grid=(n // br,),
        in_specs=[
            pl.BlockSpec((br, d), lambda i: (i, 0)),
            pl.BlockSpec((_NC, br, d), lambda i: (0, i, 0)),
            pl.BlockSpec((br, nw), lambda i: (i, 0)),
        ],
        out_specs=pl.BlockSpec((br, d), lambda i: (i, 0)),
        out_shape=jax.ShapeDtypeStruct((n, d), jnp.float32),
    )(ds_in, pmsg, pcnt_t)


def kernel(ds_in, ds_out, layer_edge_index):
    lei = layer_edge_index.astype(jnp.int32)
    pmsg, cnt = _sc_accumulate(lei[0], lei[1], ds_out)
    return _combine(ds_in, pmsg, cnt.T)

# --- scband reference (transcript-rebuilt; emitter-appended) ---
"""Pipeline reference for scband-layer-out2-layer-in-43404939493623 (READ-ONLY COPY).

The authoritative reference and input builder live on the scoring server;
editing this copy changes nothing except your own understanding.
"""

import jax, jax.numpy as jnp
import numpy as np

N_NODES = 10000
N_EDGES = 320000
D_FEAT = 128


def setup_inputs(seed: int = 0) -> dict:
    key = jax.random.key(seed)
    k1, k2, k3 = jax.random.split(key, 3)
    ds_in = jax.random.normal(k1, (N_NODES, D_FEAT), dtype=jnp.float32)
    ds_out = jax.random.normal(k2, (N_NODES, D_FEAT), dtype=jnp.float32)
    layer_edge_index = jax.random.randint(k3, (2, N_EDGES), 0, N_NODES, dtype=jnp.int64)
    return {"ds_in": ds_in, "ds_out": ds_out, "layer_edge_index": layer_edge_index}


def reference(ds_in, ds_out, layer_edge_index):
    # Original torch loop semantics:
    #   sum_list[i] starts with ds_in[i]; for each edge (src, recv), ds_out[src]
    #   is appended to sum_list[recv]; output[i] = mean(sum_list[i]).
    # Vectorized: out[i] = (ds_in[i] + sum_{edges e: recv(e)=i} ds_out[src(e)]) / (1 + in_degree(i))
    src = layer_edge_index[0]
    recv = layer_edge_index[1]
    n = ds_in.shape[0]
    gathered = jnp.take(ds_out, src, axis=0)               # gather (SparseCore)
    msg_sum = jnp.zeros_like(ds_in).at[recv].add(gathered)  # scatter-add (SparseCore)
    deg = jnp.zeros((n,), dtype=ds_in.dtype).at[recv].add(jnp.ones_like(recv, dtype=ds_in.dtype))
    counts = deg + jnp.asarray(1.0, dtype=ds_in.dtype)
    return (ds_in + msg_sum) / counts[:, None]

if __name__ == "__main__":
    import jax
    _d = setup_inputs()
    print(jax.jit(kernel)(*tuple(_d.values())))

</pallas_src>

<mosaic_0001>
#map = affine_map<(d0, d1) -> (0)>
#map1 = affine_map<(d0, d1) -> (0, 0)>
#map2 = affine_map<(d0, d1) -> (0, 0, 0)>
module attributes {stable_mosaic.version = 14 : i64} {
  func.func @accumulate(%arg0: i32, %arg1: i32, %arg2: memref<320000xi32, #tpu.memory_space<hbm>>, %arg3: memref<320000xi32, #tpu.memory_space<hbm>>, %arg4: memref<10000x128xf32, #tpu.memory_space<hbm>>, %arg5: memref<2x10112x128xf32, #tpu.memory_space<hbm>>, %arg6: memref<323584xf32, #tpu.memory_space<hbm>>, %arg7: memref<8x40xi32, #tpu.memory_space<vmem>>, %arg8: memref<8x40xi32, #tpu.memory_space<vmem>>, %arg9: memref<7x40x128xf32, #tpu.memory_space<vmem>>, %arg10: memref<8x128xf32, #tpu.memory_space<vmem>>, %arg11: memref<10112xf32, #tpu.memory_space<vmem>>, %arg12: memref<10112x128xf32, #tpu.memory_space<vmem_shared>>, %arg13: memref<8x!tpu.dma_semaphore, #tpu.memory_space<semaphore_mem>>, %arg14: memref<7x!tpu.dma_semaphore, #tpu.memory_space<semaphore_mem>>, %arg15: memref<7x!tpu.dma_semaphore, #tpu.memory_space<semaphore_mem>>, %arg16: memref<!tpu.dma_semaphore, #tpu.memory_space<semaphore_mem>>) attributes {dimension_semantics = [#tpu.dimension_semantics<core_parallel>, #tpu.dimension_semantics<subcore_parallel>], iteration_bounds = array<i64: 2, 16>, scalar_prefetch = 0 : i64, scratch_operands = 10 : i64, tpu.core_type = #tpu.core_type<sc_vector_subcore>, window_params = [{transform_indices = #map}, {transform_indices = #map}, {transform_indices = #map1}, {transform_indices = #map2}, {transform_indices = #map}]} {
    %mul3A = arith.constant 2 : i32
    %mul3A_0 = arith.muli %arg1, %mul3A : i32
    %add3A = arith.addi %mul3A_0, %arg0 : i32
    %broadcast_in_dim3A = arith.constant 0.000000e+00 : f32
    %broadcast_in_dim3A_1 = vector.broadcast %broadcast_in_dim3A : f32 to vector<16xf32>
    %broadcast_in_dim3A_2 = arith.constant 1.000000e+00 : f32
    %broadcast_in_dim3A_3 = vector.broadcast %broadcast_in_dim3A_2 : f32 to vector<16xf32>
    %scan3A = arith.constant 0 : i32
    %scan3A_4 = arith.constant 0 : i32
    %scan3A_5 = arith.constant 8 : i32
    %scan3A_6 = arith.addi %scan3A_4, %scan3A_5 : i32
    %scan3A_7 = arith.constant 1 : i32
    scf.for %scan3A_388 = %scan3A_4 to %scan3A_6 step %scan3A_7  : i32 {
      %swap3A = arith.index_cast %scan3A_388 : i32 to index
      %swap3A_389 = arith.constant 0 : index
      %swap3A_390 = tpu.vector_load %arg10[%swap3A, %swap3A_389] {strides = array<i32>} : memref<8x128xf32, #tpu.memory_space<vmem>>, vector<16xf32>,
      tpu.vector_store %arg10[%swap3A, %swap3A_389], %broadcast_in_dim3A_1 {strides = array<i32>} : memref<8x128xf32, #tpu.memory_space<vmem>>, vector<16xf32>,
      %swap3A_391 = arith.index_cast %scan3A_388 : i32 to index
      %swap3A_392 = arith.constant 16 : index
      %swap3A_393 = tpu.vector_load %arg10[%swap3A_391, %swap3A_392] {strides = array<i32>} : memref<8x128xf32, #tpu.memory_space<vmem>>, vector<16xf32>,
      tpu.vector_store %arg10[%swap3A_391, %swap3A_392], %broadcast_in_dim3A_1 {strides = array<i32>} : memref<8x128xf32, #tpu.memory_space<vmem>>, vector<16xf32>,
      %swap3A_394 = arith.index_cast %scan3A_388 : i32 to index
      %swap3A_395 = arith.constant 32 : index
      %swap3A_396 = tpu.vector_load %arg10[%swap3A_394, %swap3A_395] {strides = array<i32>} : memref<8x128xf32, #tpu.memory_space<vmem>>, vector<16xf32>,
      tpu.vector_store %arg10[%swap3A_394, %swap3A_395], %broadcast_in_dim3A_1 {strides = array<i32>} : memref<8x128xf32, #tpu.memory_space<vmem>>, vector<16xf32>,
      %swap3A_397 = arith.index_cast %scan3A_388 : i32 to index
      %swap3A_398 = arith.constant 48 : index
      %swap3A_399 = tpu.vector_load %arg10[%swap3A_397, %swap3A_398] {strides = array<i32>} : memref<8x128xf32, #tpu.memory_space<vmem>>, vector<16xf32>,
      tpu.vector_store %arg10[%swap3A_397, %swap3A_398], %broadcast_in_dim3A_1 {strides = array<i32>} : memref<8x128xf32, #tpu.memory_space<vmem>>, vector<16xf32>,
      %swap3A_400 = arith.index_cast %scan3A_388 : i32 to index
      %swap3A_401 = arith.constant 64 : index
      %swap3A_402 = tpu.vector_load %arg10[%swap3A_400, %swap3A_401] {strides = array<i32>} : memref<8x128xf32, #tpu.memory_space<vmem>>, vector<16xf32>,
      tpu.vector_store %arg10[%swap3A_400, %swap3A_401], %broadcast_in_dim3A_1 {strides = array<i32>} : memref<8x128xf32, #tpu.memory_space<vmem>>, vector<16xf32>,
      %swap3A_403 = arith.index_cast %scan3A_388 : i32 to index
      %swap3A_404 = arith.constant 80 : index
      %swap3A_405 = tpu.vector_load %arg10[%swap3A_403, %swap3A_404] {strides = array<i32>} : memref<8x128xf32, #tpu.memory_space<vmem>>, vector<16xf32>,
      tpu.vector_store %arg10[%swap3A_403, %swap3A_404], %broadcast_in_dim3A_1 {strides = array<i32>} : memref<8x128xf32, #tpu.memory_space<vmem>>, vector<16xf32>,
      %swap3A_406 = arith.index_cast %scan3A_388 : i32 to index
      %swap3A_407 = arith.constant 96 : index
      %swap3A_408 = tpu.vector_load %arg10[%swap3A_406, %swap3A_407] {strides = array<i32>} : memref<8x128xf32, #tpu.memory_space<vmem>>, vector<16xf32>,
      tpu.vector_store %arg10[%swap3A_406, %swap3A_407], %broadcast_in_dim3A_1 {strides = array<i32>} : memref<8x128xf32, #tpu.memory_space<vmem>>, vector<16xf32>,
      %swap3A_409 = arith.index_cast %scan3A_388 : i32 to index
      %swap3A_410 = arith.constant 112 : index
      %swap3A_411 = tpu.vector_load %arg10[%swap3A_409, %swap3A_410] {strides = array<i32>} : memref<8x128xf32, #tpu.memory_space<vmem>>, vector<16xf32>,
      tpu.vector_store %arg10[%swap3A_409, %swap3A_410], %broadcast_in_dim3A_1 {strides = array<i32>} : memref<8x128xf32, #tpu.memory_space<vmem>>, vector<16xf32>,
    }
    %scan3A_8 = arith.constant 8 : i32
    %scan3A_9 = arith.constant 0 : i32
    %scan3A_10 = arith.constant 0 : i32
    %scan3A_11 = arith.constant 632 : i32
    %scan3A_12 = arith.addi %scan3A_10, %scan3A_11 : i32
    %scan3A_13 = arith.constant 1 : i32
    scf.for %scan3A_388 = %scan3A_10 to %scan3A_12 step %scan3A_13  : i32 {
      %mul3A_389 = arith.constant 16 : i32
      %mul3A_390 = arith.muli %scan3A_388, %mul3A_389 : i32
      %swap3A = arith.index_cast %mul3A_390 : i32 to index
      %swap3A_391 = tpu.vector_load %arg11[%swap3A] {strides = array<i32>} : memref<10112xf32, #tpu.memory_space<vmem>>, vector<16xf32>,
      tpu.vector_store %arg11[%swap3A], %broadcast_in_dim3A_1 {strides = array<i32>} : memref<10112xf32, #tpu.memory_space<vmem>>, vector<16xf32>,
    }
    %scan3A_14 = arith.constant 632 : i32
    %mul3A_15 = arith.constant 632 : i32
    %mul3A_16 = arith.muli %arg1, %mul3A_15 : i32
    %scan3A_17 = arith.constant 0 : i32
    %scan3A_18 = arith.constant 0 : i32
    %scan3A_19 = arith.constant 79 : i32
    %scan3A_20 = arith.addi %scan3A_18, %scan3A_19 : i32
    %scan3A_21 = arith.constant 1 : i32
    scf.for %scan3A_388 = %scan3A_18 to %scan3A_20 step %scan3A_21  : i32 {
      %mul3A_389 = arith.constant 8 : i32
      %mul3A_390 = arith.muli %scan3A_388, %mul3A_389 : i32
      %add3A_391 = arith.addi %mul3A_16, %mul3A_390 : i32
      %dma_start3A_392 = arith.constant 0 : i32
      %dma_start3A_393 = tpu.memref_slice %arg12[%add3A_391, %dma_start3A_392] : memref<10112x128xf32, #tpu.memory_space<vmem_shared>> -> memref<8x128xf32, #tpu.memory_space<vmem_shared>>
      %dma_start3A_394 = arith.constant 0 : i32
      %dma_start3A_395 = tpu.memref_slice %arg12[%add3A_391, %dma_start3A_394] : memref<10112x128xf32, #tpu.memory_space<vmem_shared>> -> memref<8x128xf32, #tpu.memory_space<vmem_shared>>
      tpu.enqueue_dma source(%arg10 : memref<8x128xf32, #tpu.memory_space<vmem>>) target(%dma_start3A_395 : memref<8x128xf32, #tpu.memory_space<vmem_shared>>) target_semaphore(%arg16 : memref<!tpu.dma_semaphore, #tpu.memory_space<semaphore_mem>>)
    }
    %scan3A_22 = arith.constant 79 : i32
    %mul3A_23 = arith.constant 10000 : i32
    %mul3A_24 = arith.muli %add3A, %mul3A_23 : i32
    %add3A_25 = arith.constant 0 : i32
    %add3A_26 = arith.addi %mul3A_24, %add3A_25 : i32
    %dma_start3A = arith.constant 0 : i32
    %dma_start3A_27 = arith.constant 0 : i32
    %dma_start3A_28 = arith.constant 0 : i32
    %dma_start3A_29 = tpu.memref_slice %arg7[%dma_start3A, %dma_start3A_28] : memref<8x40xi32, #tpu.memory_space<vmem>> -> memref<1x40xi32, #tpu.memory_space<vmem>>
    %dma_start3A_30 = tpu.memref_squeeze %dma_start3A_29 : memref<1x40xi32, #tpu.memory_space<vmem>> -> memref<40xi32, #tpu.memory_space<vmem>>
    %dma_start3A_31 = tpu.memref_slice %arg2[%add3A_26] : memref<320000xi32, #tpu.memory_space<hbm>> -> memref<40xi32, #tpu.memory_space<hbm>>
    %dma_start3A_32 = tpu.memref_slice %arg13[%dma_start3A_27] : memref<8x!tpu.dma_semaphore, #tpu.memory_space<semaphore_mem>> -> memref<1x!tpu.dma_semaphore, #tpu.memory_space<semaphore_mem>>
    %dma_start3A_33 = tpu.memref_squeeze %dma_start3A_32 : memref<1x!tpu.dma_semaphore, #tpu.memory_space<semaphore_mem>> -> memref<!tpu.dma_semaphore, #tpu.memory_space<semaphore_mem>>
    %dma_start3A_34 = arith.constant 0 : i32
    %dma_start3A_35 = tpu.memref_slice %arg7[%dma_start3A, %dma_start3A_34] : memref<8x40xi32, #tpu.memory_space<vmem>> -> memref<1x40xi32, #tpu.memory_space<vmem>>
    %dma_start3A_36 = tpu.memref_squeeze %dma_start3A_35 : memref<1x40xi32, #tpu.memory_space<vmem>> -> memref<40xi32, #tpu.memory_space<vmem>>
    %dma_start3A_37 = tpu.memref_slice %arg2[%add3A_26] : memref<320000xi32, #tpu.memory_space<hbm>> -> memref<40xi32, #tpu.memory_space<hbm>>
    tpu.enqueue_dma source(%dma_start3A_37 : memref<40xi32, #tpu.memory_space<hbm>>) target(%dma_start3A_36 : memref<40xi32, #tpu.memory_space<vmem>>) target_semaphore(%dma_start3A_33 : memref<!tpu.dma_semaphore, #tpu.memory_space<semaphore_mem>>)
    %dma_start3A_38 = arith.constant 0 : i32
    %dma_start3A_39 = arith.constant 0 : i32
    %dma_start3A_40 = arith.constant 0 : i32
    %dma_start3A_41 = tpu.memref_slice %arg8[%dma_start3A_38, %dma_start3A_40] : memref<8x40xi32, #tpu.memory_space<vmem>> -> memref<1x40xi32, #tpu.memory_space<vmem>>
    %dma_start3A_42 = tpu.memref_squeeze %dma_start3A_41 : memref<1x40xi32, #tpu.memory_space<vmem>> -> memref<40xi32, #tpu.memory_space<vmem>>
    %dma_start3A_43 = tpu.memref_slice %arg3[%add3A_26] : memref<320000xi32, #tpu.memory_space<hbm>> -> memref<40xi32, #tpu.memory_space<hbm>>
    %dma_start3A_44 = tpu.memref_slice %arg13[%dma_start3A_39] : memref<8x!tpu.dma_semaphore, #tpu.memory_space<semaphore_mem>> -> memref<1x!tpu.dma_semaphore, #tpu.memory_space<semaphore_mem>>
    %dma_start3A_45 = tpu.memref_squeeze %dma_start3A_44 : memref<1x!tpu.dma_semaphore, #tpu.memory_space<semaphore_mem>> -> memref<!tpu.dma_semaphore, #tpu.memory_space<semaphore_mem>>
    %dma_start3A_46 = arith.constant 0 : i32
    %dma_start3A_47 = tpu.memref_slice %arg8[%dma_start3A_38, %dma_start3A_46] : memref<8x40xi32, #tpu.memory_space<vmem>> -> memref<1x40xi32, #tpu.memory_space<vmem>>
    %dma_start3A_48 = tpu.memref_squeeze %dma_start3A_47 : memref<1x40xi32, #tpu.memory_space<vmem>> -> memref<40xi32, #tpu.memory_space<vmem>>
    %dma_start3A_49 = tpu.memref_slice %arg3[%add3A_26] : memref<320000xi32, #tpu.memory_space<hbm>> -> memref<40xi32, #tpu.memory_space<hbm>>
    tpu.enqueue_dma source(%dma_start3A_49 : memref<40xi32, #tpu.memory_space<hbm>>) target(%dma_start3A_48 : memref<40xi32, #tpu.memory_space<vmem>>) target_semaphore(%dma_start3A_45 : memref<!tpu.dma_semaphore, #tpu.memory_space<semaphore_mem>>)
    %add3A_50 = arith.constant 40 : i32
    %add3A_51 = arith.addi %mul3A_24, %add3A_50 : i32
    %dma_start3A_52 = arith.constant 1 : i32
    %dma_start3A_53 = arith.constant 1 : i32
    %dma_start3A_54 = arith.constant 0 : i32
    %dma_start3A_55 = tpu.memref_slice %arg7[%dma_start3A_52, %dma_start3A_54] : memref<8x40xi32, #tpu.memory_space<vmem>> -> memref<1x40xi32, #tpu.memory_space<vmem>>
    %dma_start3A_56 = tpu.memref_squeeze %dma_start3A_55 : memref<1x40xi32, #tpu.memory_space<vmem>> -> memref<40xi32, #tpu.memory_space<vmem>>
    %dma_start3A_57 = tpu.memref_slice %arg2[%add3A_51] : memref<320000xi32, #tpu.memory_space<hbm>> -> memref<40xi32, #tpu.memory_space<hbm>>
    %dma_start3A_58 = tpu.memref_slice %arg13[%dma_start3A_53] : memref<8x!tpu.dma_semaphore, #tpu.memory_space<semaphore_mem>> -> memref<1x!tpu.dma_semaphore, #tpu.memory_space<semaphore_mem>>
    %dma_start3A_59 = tpu.memref_squeeze %dma_start3A_58 : memref<1x!tpu.dma_semaphore, #tpu.memory_space<semaphore_mem>> -> memref<!tpu.dma_semaphore, #tpu.memory_space<semaphore_mem>>
    %dma_start3A_60 = arith.constant 0 : i32
    %dma_start3A_61 = tpu.memref_slice %arg7[%dma_start3A_52, %dma_start3A_60] : memref<8x40xi32, #tpu.memory_space<vmem>> -> memref<1x40xi32, #tpu.memory_space<vmem>>
    %dma_start3A_62 = tpu.memref_squeeze %dma_start3A_61 : memref<1x40xi32, #tpu.memory_space<vmem>> -> memref<40xi32, #tpu.memory_space<vmem>>
    %dma_start3A_63 = tpu.memref_slice %arg2[%add3A_51] : memref<320000xi32, #tpu.memory_space<hbm>> -> memref<40xi32, #tpu.memory_space<hbm>>
    tpu.enqueue_dma source(%dma_start3A_63 : memref<40xi32, #tpu.memory_space<hbm>>) target(%dma_start3A_62 : memref<40xi32, #tpu.memory_space<vmem>>) target_semaphore(%dma_start3A_59 : memref<!tpu.dma_semaphore, #tpu.memory_space<semaphore_mem>>)
    %dma_start3A_64 = arith.constant 1 : i32
    %dma_start3A_65 = arith.constant 1 : i32
    %dma_start3A_66 = arith.constant 0 : i32
    %dma_start3A_67 = tpu.memref_slice %arg8[%dma_start3A_64, %dma_start3A_66] : memref<8x40xi32, #tpu.memory_space<vmem>> -> memref<1x40xi32, #tpu.memory_space<vmem>>
    %dma_start3A_68 = tpu.memref_squeeze %dma_start3A_67 : memref<1x40xi32, #tpu.memory_space<vmem>> -> memref<40xi32, #tpu.memory_space<vmem>>
    %dma_start3A_69 = tpu.memref_slice %arg3[%add3A_51] : memref<320000xi32, #tpu.memory_space<hbm>> -> memref<40xi32, #tpu.memory_space<hbm>>
    %dma_start3A_70 = tpu.memref_slice %arg13[%dma_start3A_65] : memref<8x!tpu.dma_semaphore, #tpu.memory_space<semaphore_mem>> -> memref<1x!tpu.dma_semaphore, #tpu.memory_space<semaphore_mem>>
    %dma_start3A_71 = tpu.memref_squeeze %dma_start3A_70 : memref<1x!tpu.dma_semaphore, #tpu.memory_space<semaphore_mem>> -> memref<!tpu.dma_semaphore, #tpu.memory_space<semaphore_mem>>
    %dma_start3A_72 = arith.constant 0 : i32
    %dma_start3A_73 = tpu.memref_slice %arg8[%dma_start3A_64, %dma_start3A_72] : memref<8x40xi32, #tpu.memory_space<vmem>> -> memref<1x40xi32, #tpu.memory_space<vmem>>
    %dma_start3A_74 = tpu.memref_squeeze %dma_start3A_73 : memref<1x40xi32, #tpu.memory_space<vmem>> -> memref<40xi32, #tpu.memory_space<vmem>>
    %dma_start3A_75 = tpu.memref_slice %arg3[%add3A_51] : memref<320000xi32, #tpu.memory_space<hbm>> -> memref<40xi32, #tpu.memory_space<hbm>>
    tpu.enqueue_dma source(%dma_start3A_75 : memref<40xi32, #tpu.memory_space<hbm>>) target(%dma_start3A_74 : memref<40xi32, #tpu.memory_space<vmem>>) target_semaphore(%dma_start3A_71 : memref<!tpu.dma_semaphore, #tpu.memory_space<semaphore_mem>>)
    %add3A_76 = arith.constant 80 : i32
    %add3A_77 = arith.addi %mul3A_24, %add3A_76 : i32
    %dma_start3A_78 = arith.constant 2 : i32
    %dma_start3A_79 = arith.constant 2 : i32
    %dma_start3A_80 = arith.constant 0 : i32
    %dma_start3A_81 = tpu.memref_slice %arg7[%dma_start3A_78, %dma_start3A_80] : memref<8x40xi32, #tpu.memory_space<vmem>> -> memref<1x40xi32, #tpu.memory_space<vmem>>
    %dma_start3A_82 = tpu.memref_squeeze %dma_start3A_81 : memref<1x40xi32, #tpu.memory_space<vmem>> -> memref<40xi32, #tpu.memory_space<vmem>>
    %dma_start3A_83 = tpu.memref_slice %arg2[%add3A_77] : memref<320000xi32, #tpu.memory_space<hbm>> -> memref<40xi32, #tpu.memory_space<hbm>>
    %dma_start3A_84 = tpu.memref_slice %arg13[%dma_start3A_79] : memref<8x!tpu.dma_semaphore, #tpu.memory_space<semaphore_mem>> -> memref<1x!tpu.dma_semaphore, #tpu.memory_space<semaphore_mem>>
    %dma_start3A_85 = tpu.memref_squeeze %dma_start3A_84 : memref<1x!tpu.dma_semaphore, #tpu.memory_space<semaphore_mem>> -> memref<!tpu.dma_semaphore, #tpu.memory_space<semaphore_mem>>
    %dma_start3A_86 = arith.constant 0 : i32
    %dma_start3A_87 = tpu.memref_slice %arg7[%dma_start3A_78, %dma_start3A_86] : memref<8x40xi32, #tpu.memory_space<vmem>> -> memref<1x40xi32, #tpu.memory_space<vmem>>
    %dma_start3A_88 = tpu.memref_squeeze %dma_start3A_87 : memref<1x40xi32, #tpu.memory_space<vmem>> -> memref<40xi32, #tpu.memory_space<vmem>>
    %dma_start3A_89 = tpu.memref_slice %arg2[%add3A_77] : memref<320000xi32, #tpu.memory_space<hbm>> -> memref<40xi32, #tpu.memory_space<hbm>>
    tpu.enqueue_dma source(%dma_start3A_89 : memref<40xi32, #tpu.memory_space<hbm>>) target(%dma_start3A_88 : memref<40xi32, #tpu.memory_space<vmem>>) target_semaphore(%dma_start3A_85 : memref<!tpu.dma_semaphore, #tpu.memory_space<semaphore_mem>>)
    %dma_start3A_90 = arith.constant 2 : i32
    %dma_start3A_91 = arith.constant 2 : i32
    %dma_start3A_92 = arith.constant 0 : i32
    %dma_start3A_93 = tpu.memref_slice %arg8[%dma_start3A_90, %dma_start3A_92] : memref<8x40xi32, #tpu.memory_space<vmem>> -> memref<1x40xi32, #tpu.memory_space<vmem>>
    %dma_start3A_94 = tpu.memref_squeeze %dma_start3A_93 : memref<1x40xi32, #tpu.memory_space<vmem>> -> memref<40xi32, #tpu.memory_space<vmem>>
    %dma_start3A_95 = tpu.memref_slice %arg3[%add3A_77] : memref<320000xi32, #tpu.memory_space<hbm>> -> memref<40xi32, #tpu.memory_space<hbm>>
    %dma_start3A_96 = tpu.memref_slice %arg13[%dma_start3A_91] : memref<8x!tpu.dma_semaphore, #tpu.memory_space<semaphore_mem>> -> memref<1x!tpu.dma_semaphore, #tpu.memory_space<semaphore_mem>>
    %dma_start3A_97 = tpu.memref_squeeze %dma_start3A_96 : memref<1x!tpu.dma_semaphore, #tpu.memory_space<semaphore_mem>> -> memref<!tpu.dma_semaphore, #tpu.memory_space<semaphore_mem>>
    %dma_start3A_98 = arith.constant 0 : i32
    %dma_start3A_99 = tpu.memref_slice %arg8[%dma_start3A_90, %dma_start3A_98] : memref<8x40xi32, #tpu.memory_space<vmem>> -> memref<1x40xi32, #tpu.memory_space<vmem>>
    %dma_start3A_100 = tpu.memref_squeeze %dma_start3A_99 : memref<1x40xi32, #tpu.memory_space<vmem>> -> memref<40xi32, #tpu.memory_space<vmem>>
    %dma_start3A_101 = tpu.memref_slice %arg3[%add3A_77] : memref<320000xi32, #tpu.memory_space<hbm>> -> memref<40xi32, #tpu.memory_space<hbm>>
    tpu.enqueue_dma source(%dma_start3A_101 : memref<40xi32, #tpu.memory_space<hbm>>) target(%dma_start3A_100 : memref<40xi32, #tpu.memory_space<vmem>>) target_semaphore(%dma_start3A_97 : memref<!tpu.dma_semaphore, #tpu.memory_space<semaphore_mem>>)
    %add3A_102 = arith.constant 120 : i32
    %add3A_103 = arith.addi %mul3A_24, %add3A_102 : i32
    %dma_start3A_104 = arith.constant 3 : i32
    %dma_start3A_105 = arith.constant 3 : i32
    %dma_start3A_106 = arith.constant 0 : i32
    %dma_start3A_107 = tpu.memref_slice %arg7[%dma_start3A_104, %dma_start3A_106] : memref<8x40xi32, #tpu.memory_space<vmem>> -> memref<1x40xi32, #tpu.memory_space<vmem>>
    %dma_start3A_108 = tpu.memref_squeeze %dma_start3A_107 : memref<1x40xi32, #tpu.memory_space<vmem>> -> memref<40xi32, #tpu.memory_space<vmem>>
    %dma_start3A_109 = tpu.memref_slice %arg2[%add3A_103] : memref<320000xi32, #tpu.memory_space<hbm>> -> memref<40xi32, #tpu.memory_space<hbm>>
    %dma_start3A_110 = tpu.memref_slice %arg13[%dma_start3A_105] : memref<8x!tpu.dma_semaphore, #tpu.memory_space<semaphore_mem>> -> memref<1x!tpu.dma_semaphore, #tpu.memory_space<semaphore_mem>>
    %dma_start3A_111 = tpu.memref_squeeze %dma_start3A_110 : memref<1x!tpu.dma_semaphore, #tpu.memory_space<semaphore_mem>> -> memref<!tpu.dma_semaphore, #tpu.memory_space<semaphore_mem>>
    %dma_start3A_112 = arith.constant 0 : i32
    %dma_start3A_113 = tpu.memref_slice %arg7[%dma_start3A_104, %dma_start3A_112] : memref<8x40xi32, #tpu.memory_space<vmem>> -> memref<1x40xi32, #tpu.memory_space<vmem>>
    %dma_start3A_114 = tpu.memref_squeeze %dma_start3A_113 : memref<1x40xi32, #tpu.memory_space<vmem>> -> memref<40xi32, #tpu.memory_space<vmem>>
    %dma_start3A_115 = tpu.memref_slice %arg2[%add3A_103] : memref<320000xi32, #tpu.memory_space<hbm>> -> memref<40xi32, #tpu.memory_space<hbm>>
    tpu.enqueue_dma source(%dma_start3A_115 : memref<40xi32, #tpu.memory_space<hbm>>) target(%dma_start3A_114 : memref<40xi32, #tpu.memory_space<vmem>>) target_semaphore(%dma_start3A_111 : memref<!tpu.dma_semaphore, #tpu.memory_space<semaphore_mem>>)
    %dma_start3A_116 = arith.constant 3 : i32
    %dma_start3A_117 = arith.constant 3 : i32
    %dma_start3A_118 = arith.constant 0 : i32
    %dma_start3A_119 = tpu.memref_slice %arg8[%dma_start3A_116, %dma_start3A_118] : memref<8x40xi32, #tpu.memory_space<vmem>> -> memref<1x40xi32, #tpu.memory_space<vmem>>
    %dma_start3A_120 = tpu.memref_squeeze %dma_start3A_119 : memref<1x40xi32, #tpu.memory_space<vmem>> -> memref<40xi32, #tpu.memory_space<vmem>>
    %dma_start3A_121 = tpu.memref_slice %arg3[%add3A_103] : memref<320000xi32, #tpu.memory_space<hbm>> -> memref<40xi32, #tpu.memory_space<hbm>>
    %dma_start3A_122 = tpu.memref_slice %arg13[%dma_start3A_117] : memref<8x!tpu.dma_semaphore, #tpu.memory_space<semaphore_mem>> -> memref<1x!tpu.dma_semaphore, #tpu.memory_space<semaphore_mem>>
    %dma_start3A_123 = tpu.memref_squeeze %dma_start3A_122 : memref<1x!tpu.dma_semaphore, #tpu.memory_space<semaphore_mem>> -> memref<!tpu.dma_semaphore, #tpu.memory_space<semaphore_mem>>
    %dma_start3A_124 = arith.constant 0 : i32
    %dma_start3A_125 = tpu.memref_slice %arg8[%dma_start3A_116, %dma_start3A_124] : memref<8x40xi32, #tpu.memory_space<vmem>> -> memref<1x40xi32, #tpu.memory_space<vmem>>
    %dma_start3A_126 = tpu.memref_squeeze %dma_start3A_125 : memref<1x40xi32, #tpu.memory_space<vmem>> -> memref<40xi32, #tpu.memory_space<vmem>>
    %dma_start3A_127 = tpu.memref_slice %arg3[%add3A_103] : memref<320000xi32, #tpu.memory_space<hbm>> -> memref<40xi32, #tpu.memory_space<hbm>>
    tpu.enqueue_dma source(%dma_start3A_127 : memref<40xi32, #tpu.memory_space<hbm>>) target(%dma_start3A_126 : memref<40xi32, #tpu.memory_space<vmem>>) target_semaphore(%dma_start3A_123 : memref<!tpu.dma_semaphore, #tpu.memory_space<semaphore_mem>>)
    %add3A_128 = arith.constant 160 : i32
    %add3A_129 = arith.addi %mul3A_24, %add3A_128 : i32
    %dma_start3A_130 = arith.constant 4 : i32
    %dma_start3A_131 = arith.constant 4 : i32
    %dma_start3A_132 = arith.constant 0 : i32
    %dma_start3A_133 = tpu.memref_slice %arg7[%dma_start3A_130, %dma_start3A_132] : memref<8x40xi32, #tpu.memory_space<vmem>> -> memref<1x40xi32, #tpu.memory_space<vmem>>
    %dma_start3A_134 = tpu.memref_squeeze %dma_start3A_133 : memref<1x40xi32, #tpu.memory_space<vmem>> -> memref<40xi32, #tpu.memory_space<vmem>>
    %dma_start3A_135 = tpu.memref_slice %arg2[%add3A_129] : memref<320000xi32, #tpu.memory_space<hbm>> -> memref<40xi32, #tpu.memory_space<hbm>>
    %dma_start3A_136 = tpu.memref_slice %arg13[%dma_start3A_131] : memref<8x!tpu.dma_semaphore, #tpu.memory_space<semaphore_mem>> -> memref<1x!tpu.dma_semaphore, #tpu.memory_space<semaphore_mem>>
    %dma_start3A_137 = tpu.memref_squeeze %dma_start3A_136 : memref<1x!tpu.dma_semaphore, #tpu.memory_space<semaphore_mem>> -> memref<!tpu.dma_semaphore, #tpu.memory_space<semaphore_mem>>
    %dma_start3A_138 = arith.constant 0 : i32
    %dma_start3A_139 = tpu.memref_slice %arg7[%dma_start3A_130, %dma_start3A_138] : memref<8x40xi32, #tpu.memory_space<vmem>> -> memref<1x40xi32, #tpu.memory_space<vmem>>
    %dma_start3A_140 = tpu.memref_squeeze %dma_start3A_139 : memref<1x40xi32, #tpu.memory_space<vmem>> -> memref<40xi32, #tpu.memory_space<vmem>>
    %dma_start3A_141 = tpu.memref_slice %arg2[%add3A_129] : memref<320000xi32, #tpu.memory_space<hbm>> -> memref<40xi32, #tpu.memory_space<hbm>>
    tpu.enqueue_dma source(%dma_start3A_141 : memref<40xi32, #tpu.memory_space<hbm>>) target(%dma_start3A_140 : memref<40xi32, #tpu.memory_space<vmem>>) target_semaphore(%dma_start3A_137 : memref<!tpu.dma_semaphore, #tpu.memory_space<semaphore_mem>>)
    %dma_start3A_142 = arith.constant 4 : i32
    %dma_start3A_143 = arith.constant 4 : i32
    %dma_start3A_144 = arith.constant 0 : i32
    %dma_start3A_145 = tpu.memref_slice %arg8[%dma_start3A_142, %dma_start3A_144] : memref<8x40xi32, #tpu.memory_space<vmem>> -> memref<1x40xi32, #tpu.memory_space<vmem>>
    %dma_start3A_146 = tpu.memref_squeeze %dma_start3A_145 : memref<1x40xi32, #tpu.memory_space<vmem>> -> memref<40xi32, #tpu.memory_space<vmem>>
    %dma_start3A_147 = tpu.memref_slice %arg3[%add3A_129] : memref<320000xi32, #tpu.memory_space<hbm>> -> memref<40xi32, #tpu.memory_space<hbm>>
    %dma_start3A_148 = tpu.memref_slice %arg13[%dma_start3A_143] : memref<8x!tpu.dma_semaphore, #tpu.memory_space<semaphore_mem>> -> memref<1x!tpu.dma_semaphore, #tpu.memory_space<semaphore_mem>>
    %dma_start3A_149 = tpu.memref_squeeze %dma_start3A_148 : memref<1x!tpu.dma_semaphore, #tpu.memory_space<semaphore_mem>> -> memref<!tpu.dma_semaphore, #tpu.memory_space<semaphore_mem>>
    %dma_start3A_150 = arith.constant 0 : i32
    %dma_start3A_151 = tpu.memref_slice %arg8[%dma_start3A_142, %dma_start3A_150] : memref<8x40xi32, #tpu.memory_space<vmem>> -> memref<1x40xi32, #tpu.memory_space<vmem>>
    %dma_start3A_152 = tpu.memref_squeeze %dma_start3A_151 : memref<1x40xi32, #tpu.memory_space<vmem>> -> memref<40xi32, #tpu.memory_space<vmem>>
    %dma_start3A_153 = tpu.memref_slice %arg3[%add3A_129] : memref<320000xi32, #tpu.memory_space<hbm>> -> memref<40xi32, #tpu.memory_space<hbm>>
    tpu.enqueue_dma source(%dma_start3A_153 : memref<40xi32, #tpu.memory_space<hbm>>) target(%dma_start3A_152 : memref<40xi32, #tpu.memory_space<vmem>>) target_semaphore(%dma_start3A_149 : memref<!tpu.dma_semaphore, #tpu.memory_space<semaphore_mem>>)
    %add3A_154 = arith.constant 200 : i32
    %add3A_155 = arith.addi %mul3A_24, %add3A_154 : i32
    %dma_start3A_156 = arith.constant 5 : i32
    %dma_start3A_157 = arith.constant 5 : i32
    %dma_start3A_158 = arith.constant 0 : i32
    %dma_start3A_159 = tpu.memref_slice %arg7[%dma_start3A_156, %dma_start3A_158] : memref<8x40xi32, #tpu.memory_space<vmem>> -> memref<1x40xi32, #tpu.memory_space<vmem>>
    %dma_start3A_160 = tpu.memref_squeeze %dma_start3A_159 : memref<1x40xi32, #tpu.memory_space<vmem>> -> memref<40xi32, #tpu.memory_space<vmem>>
    %dma_start3A_161 = tpu.memref_slice %arg2[%add3A_155] : memref<320000xi32, #tpu.memory_space<hbm>> -> memref<40xi32, #tpu.memory_space<hbm>>
    %dma_start3A_162 = tpu.memref_slice %arg13[%dma_start3A_157] : memref<8x!tpu.dma_semaphore, #tpu.memory_space<semaphore_mem>> -> memref<1x!tpu.dma_semaphore, #tpu.memory_space<semaphore_mem>>
    %dma_start3A_163 = tpu.memref_squeeze %dma_start3A_162 : memref<1x!tpu.dma_semaphore, #tpu.memory_space<semaphore_mem>> -> memref<!tpu.dma_semaphore, #tpu.memory_space<semaphore_mem>>
    %dma_start3A_164 = arith.constant 0 : i32
    %dma_start3A_165 = tpu.memref_slice %arg7[%dma_start3A_156, %dma_start3A_164] : memref<8x40xi32, #tpu.memory_space<vmem>> -> memref<1x40xi32, #tpu.memory_space<vmem>>
    %dma_start3A_166 = tpu.memref_squeeze %dma_start3A_165 : memref<1x40xi32, #tpu.memory_space<vmem>> -> memref<40xi32, #tpu.memory_space<vmem>>
    %dma_start3A_167 = tpu.memref_slice %arg2[%add3A_155] : memref<320000xi32, #tpu.memory_space<hbm>> -> memref<40xi32, #tpu.memory_space<hbm>>
    tpu.enqueue_dma source(%dma_start3A_167 : memref<40xi32, #tpu.memory_space<hbm>>) target(%dma_start3A_166 : memref<40xi32, #tpu.memory_space<vmem>>) target_semaphore(%dma_start3A_163 : memref<!tpu.dma_semaphore, #tpu.memory_space<semaphore_mem>>)
    %dma_start3A_168 = arith.constant 5 : i32
    %dma_start3A_169 = arith.constant 5 : i32
    %dma_start3A_170 = arith.constant 0 : i32
    %dma_start3A_171 = tpu.memref_slice %arg8[%dma_start3A_168, %dma_start3A_170] : memref<8x40xi32, #tpu.memory_space<vmem>> -> memref<1x40xi32, #tpu.memory_space<vmem>>
    %dma_start3A_172 = tpu.memref_squeeze %dma_start3A_171 : memref<1x40xi32, #tpu.memory_space<vmem>> -> memref<40xi32, #tpu.memory_space<vmem>>
    %dma_start3A_173 = tpu.memref_slice %arg3[%add3A_155] : memref<320000xi32, #tpu.memory_space<hbm>> -> memref<40xi32, #tpu.memory_space<hbm>>
    %dma_start3A_174 = tpu.memref_slice %arg13[%dma_start3A_169] : memref<8x!tpu.dma_semaphore, #tpu.memory_space<semaphore_mem>> -> memref<1x!tpu.dma_semaphore, #tpu.memory_space<semaphore_mem>>
    %dma_start3A_175 = tpu.memref_squeeze %dma_start3A_174 : memref<1x!tpu.dma_semaphore, #tpu.memory_space<semaphore_mem>> -> memref<!tpu.dma_semaphore, #tpu.memory_space<semaphore_mem>>
    %dma_start3A_176 = arith.constant 0 : i32
    %dma_start3A_177 = tpu.memref_slice %arg8[%dma_start3A_168, %dma_start3A_176] : memref<8x40xi32, #tpu.memory_space<vmem>> -> memref<1x40xi32, #tpu.memory_space<vmem>>
    %dma_start3A_178 = tpu.memref_squeeze %dma_start3A_177 : memref<1x40xi32, #tpu.memory_space<vmem>> -> memref<40xi32, #tpu.memory_space<vmem>>
    %dma_start3A_179 = tpu.memref_slice %arg3[%add3A_155] : memref<320000xi32, #tpu.memory_space<hbm>> -> memref<40xi32, #tpu.memory_space<hbm>>
    tpu.enqueue_dma source(%dma_start3A_179 : memref<40xi32, #tpu.memory_space<hbm>>) target(%dma_start3A_178 : memref<40xi32, #tpu.memory_space<vmem>>) target_semaphore(%dma_start3A_175 : memref<!tpu.dma_semaphore, #tpu.memory_space<semaphore_mem>>)
    %add3A_180 = arith.constant 0 : i32
    %add3A_181 = arith.addi %mul3A_24, %add3A_180 : i32
    %dma_wait3A = arith.constant 0 : i32
    %dma_wait3A_182 = arith.constant 0 : i32
    %dma_wait3A_183 = arith.constant 0 : i32
    %dma_wait3A_184 = tpu.memref_slice %arg7[%dma_wait3A, %dma_wait3A_183] : memref<8x40xi32, #tpu.memory_space<vmem>> -> memref<1x40xi32, #tpu.memory_space<vmem>>
    %dma_wait3A_185 = tpu.memref_squeeze %dma_wait3A_184 : memref<1x40xi32, #tpu.memory_space<vmem>> -> memref<40xi32, #tpu.memory_space<vmem>>
    %dma_wait3A_186 = tpu.memref_slice %arg2[%add3A_181] : memref<320000xi32, #tpu.memory_space<hbm>> -> memref<40xi32, #tpu.memory_space<hbm>>
    %dma_wait3A_187 = tpu.memref_slice %arg13[%dma_wait3A_182] : memref<8x!tpu.dma_semaphore, #tpu.memory_space<semaphore_mem>> -> memref<1x!tpu.dma_semaphore, #tpu.memory_space<semaphore_mem>>
    %dma_wait3A_188 = tpu.memref_squeeze %dma_wait3A_187 : memref<1x!tpu.dma_semaphore, #tpu.memory_space<semaphore_mem>> -> memref<!tpu.dma_semaphore, #tpu.memory_space<semaphore_mem>>
    %dma_wait3A_189 = arith.constant 0 : i32
    %dma_wait3A_190 = tpu.memref_slice %arg7[%dma_wait3A, %dma_wait3A_189] : memref<8x40xi32, #tpu.memory_space<vmem>> -> memref<1x40xi32, #tpu.memory_space<vmem>>
    %dma_wait3A_191 = tpu.memref_squeeze %dma_wait3A_190 : memref<1x40xi32, #tpu.memory_space<vmem>> -> memref<40xi32, #tpu.memory_space<vmem>>
    %dma_wait3A_192 = tpu.memref_slice %arg2[%add3A_181] : memref<320000xi32, #tpu.memory_space<hbm>> -> memref<40xi32, #tpu.memory_space<hbm>>
    tpu.wait_dma2 semaphore(%dma_wait3A_188 : memref<!tpu.dma_semaphore, #tpu.memory_space<semaphore_mem>>) src(%dma_wait3A_192 : memref<40xi32, #tpu.memory_space<hbm>>) dst(%dma_wait3A_191 : memref<40xi32, #tpu.memory_space<vmem>>)
    %dma_wait3A_193 = arith.constant 0 : i32
    %dma_wait3A_194 = arith.constant 0 : i32
    %dma_wait3A_195 = arith.constant 0 : i32
    %dma_wait3A_196 = tpu.memref_slice %arg8[%dma_wait3A_193, %dma_wait3A_195] : memref<8x40xi32, #tpu.memory_space<vmem>> -> memref<1x40xi32, #tpu.memory_space<vmem>>
    %dma_wait3A_197 = tpu.memref_squeeze %dma_wait3A_196 : memref<1x40xi32, #tpu.memory_space<vmem>> -> memref<40xi32, #tpu.memory_space<vmem>>
    %dma_wait3A_198 = tpu.memref_slice %arg3[%add3A_181] : memref<320000xi32, #tpu.memory_space<hbm>> -> memref<40xi32, #tpu.memory_space<hbm>>
    %dma_wait3A_199 = tpu.memref_slice %arg13[%dma_wait3A_194] : memref<8x!tpu.dma_semaphore, #tpu.memory_space<semaphore_mem>> -> memref<1x!tpu.dma_semaphore, #tpu.memory_space<semaphore_mem>>
    %dma_wait3A_200 = tpu.memref_squeeze %dma_wait3A_199 : memref<1x!tpu.dma_semaphore, #tpu.memory_space<semaphore_mem>> -> memref<!tpu.dma_semaphore, #tpu.memory_space<semaphore_mem>>
    %dma_wait3A_201 = arith.constant 0 : i32
    %dma_wait3A_202 = tpu.memref_slice %arg8[%dma_wait3A_193, %dma_wait3A_201] : memref<8x40xi32, #tpu.memory_space<vmem>> -> memref<1x40xi32, #tpu.memory_space<vmem>>
    %dma_wait3A_203 = tpu.memref_squeeze %dma_wait3A_202 : memref<1x40xi32, #tpu.memory_space<vmem>> -> memref<40xi32, #tpu.memory_space<vmem>>
    %dma_wait3A_204 = tpu.memref_slice %arg3[%add3A_181] : memref<320000xi32, #tpu.memory_space<hbm>> -> memref<40xi32, #tpu.memory_space<hbm>>
    tpu.wait_dma2 semaphore(%dma_wait3A_200 : memref<!tpu.dma_semaphore, #tpu.memory_space<semaphore_mem>>) src(%dma_wait3A_204 : memref<40xi32, #tpu.memory_space<hbm>>) dst(%dma_wait3A_203 : memref<40xi32, #tpu.memory_space<vmem>>)
    %dma_start3A_205 = arith.constant 0 : i32
    %dma_start3A_206 = arith.constant 0 : i32
    %dma_start3A_207 = arith.constant 0 : i32
    %dma_start3A_208 = arith.constant 0 : i32
    %dma_start3A_209 = arith.constant 0 : i32
    %dma_start3A_210 = tpu.memref_slice %arg9[%dma_start3A_206, %dma_start3A_208, %dma_start3A_209] : memref<7x40x128xf32, #tpu.memory_space<vmem>> -> memref<1x40x128xf32, #tpu.memory_space<vmem>>
    %dma_start3A_211 = tpu.memref_squeeze %dma_start3A_210 : memref<1x40x128xf32, #tpu.memory_space<vmem>> -> memref<40x128xf32, #tpu.memory_space<vmem>>
    %dma_start3A_212 = arith.constant 0 : i32
    %dma_start3A_213 = tpu.memref_slice %arg7[%dma_start3A_205, %dma_start3A_212] : memref<8x40xi32, #tpu.memory_space<vmem>> -> memref<1x40xi32, #tpu.memory_space<vmem>>
    %dma_start3A_214 = tpu.memref_squeeze %dma_start3A_213 : memref<1x40xi32, #tpu.memory_space<vmem>> -> memref<40xi32, #tpu.memory_space<vmem>>
    %dma_start3A_215 = arith.constant 0 : i32
    %dma_start3A_216 = arith.constant 0 : i32
    %dma_start3A_217 = tpu.memref_slice %arg4[%dma_start3A_215, %dma_start3A_216] : memref<10000x128xf32, #tpu.memory_space<hbm>> -> memref<10000x128xf32, #tpu.memory_space<hbm>>
    %dma_start3A_218 = tpu.memref_slice %arg14[%dma_start3A_207] : memref<7x!tpu.dma_semaphore, #tpu.memory_space<semaphore_mem>> -> memref<1x!tpu.dma_semaphore, #tpu.memory_space<semaphore_mem>>
    %dma_start3A_219 = tpu.memref_squeeze %dma_start3A_218 : memref<1x!tpu.dma_semaphore, #tpu.memory_space<semaphore_mem>> -> memref<!tpu.dma_semaphore, #tpu.memory_space<semaphore_mem>>
    tpu.enqueue_indirect_dma source(%dma_start3A_217 : memref<10000x128xf32, #tpu.memory_space<hbm>>) target(%dma_start3A_211 : memref<40x128xf32, #tpu.memory_space<vmem>>) offsets(%dma_start3A_214 : memref<40xi32, #tpu.memory_space<vmem>>) semaphore(%dma_start3A_219 : memref<!tpu.dma_semaphore, #tpu.memory_space<semaphore_mem>>)
    %add3A_220 = arith.constant 40 : i32
    %add3A_221 = arith.addi %mul3A_24, %add3A_220 : i32
    %dma_wait3A_222 = arith.constant 1 : i32
    %dma_wait3A_223 = arith.constant 1 : i32
    %dma_wait3A_224 = arith.constant 0 : i32
    %dma_wait3A_225 = tpu.memref_slice %arg7[%dma_wait3A_222, %dma_wait3A_224] : memref<8x40xi32, #tpu.memory_space<vmem>> -> memref<1x40xi32, #tpu.memory_space<vmem>>
    %dma_wait3A_226 = tpu.memref_squeeze %dma_wait3A_225 : memref<1x40xi32, #tpu.memory_space<vmem>> -> memref<40xi32, #tpu.memory_space<vmem>>
    %dma_wait3A_227 = tpu.memref_slice %arg2[%add3A_221] : memref<320000xi32, #tpu.memory_space<hbm>> -> memref<40xi32, #tpu.memory_space<hbm>>
    %dma_wait3A_228 = tpu.memref_slice %arg13[%dma_wait3A_223] : memref<8x!tpu.dma_semaphore, #tpu.memory_space<semaphore_mem>> -> memref<1x!tpu.dma_semaphore, #tpu.memory_space<semaphore_mem>>
    %dma_wait3A_229 = tpu.memref_squeeze %dma_wait3A_228 : memref<1x!tpu.dma_semaphore, #tpu.memory_space<semaphore_mem>> -> memref<!tpu.dma_semaphore, #tpu.memory_space<semaphore_mem>>
    %dma_wait3A_230 = arith.constant 0 : i32
    %dma_wait3A_231 = tpu.memref_slice %arg7[%dma_wait3A_222, %dma_wait3A_230] : memref<8x40xi32, #tpu.memory_space<vmem>> -> memref<1x40xi32, #tpu.memory_space<vmem>>
    %dma_wait3A_232 = tpu.memref_squeeze %dma_wait3A_231 : memref<1x40xi32, #tpu.memory_space<vmem>> -> memref<40xi32, #tpu.memory_space<vmem>>
    %dma_wait3A_233 = tpu.memref_slice %arg2[%add3A_221] : memref<320000xi32, #tpu.memory_space<hbm>> -> memref<40xi32, #tpu.memory_space<hbm>>
    tpu.wait_dma2 semaphore(%dma_wait3A_229 : memref<!tpu.dma_semaphore, #tpu.memory_space<semaphore_mem>>) src(%dma_wait3A_233 : memref<40xi32, #tpu.memory_space<hbm>>) dst(%dma_wait3A_232 : memref<40xi32, #tpu.memory_space<vmem>>)
    %dma_wait3A_234 = arith.constant 1 : i32
    %dma_wait3A_235 = arith.constant 1 : i32
    %dma_wait3A_236 = arith.constant 0 : i32
    %dma_wait3A_237 = tpu.memref_slice %arg8[%dma_wait3A_234, %dma_wait3A_236] : memref<8x40xi32, #tpu.memory_space<vmem>> -> memref<1x40xi32, #tpu.memory_space<vmem>>
    %dma_wait3A_238 = tpu.memref_squeeze %dma_wait3A_237 : memref<1x40xi32, #tpu.memory_space<vmem>> -> memref<40xi32, #tpu.memory_space<vmem>>
    %dma_wait3A_239 = tpu.memref_slice %arg3[%add3A_221] : memref<320000xi32, #tpu.memory_space<hbm>> -> memref<40xi32, #tpu.memory_space<hbm>>
    %dma_wait3A_240 = tpu.memref_slice %arg13[%dma_wait3A_235] : memref<8x!tpu.dma_semaphore, #tpu.memory_space<semaphore_mem>> -> memref<1x!tpu.dma_semaphore, #tpu.memory_space<semaphore_mem>>
    %dma_wait3A_241 = tpu.memref_squeeze %dma_wait3A_240 : memref<1x!tpu.dma_semaphore, #tpu.memory_space<semaphore_mem>> -> memref<!tpu.dma_semaphore, #tpu.memory_space<semaphore_mem>>
    %dma_wait3A_242 = arith.constant 0 : i32
    %dma_wait3A_243 = tpu.memref_slice %arg8[%dma_wait3A_234, %dma_wait3A_242] : memref<8x40xi32, #tpu.memory_space<vmem>> -> memref<1x40xi32, #tpu.memory_space<vmem>>
    %dma_wait3A_244 = tpu.memref_squeeze %dma_wait3A_243 : memref<1x40xi32, #tpu.memory_space<vmem>> -> memref<40xi32, #tpu.memory_space<vmem>>
    %dma_wait3A_245 = tpu.memref_slice %arg3[%add3A_221] : memref<320000xi32, #tpu.memory_space<hbm>> -> memref<40xi32, #tpu.memory_space<hbm>>
    tpu.wait_dma2 semaphore(%dma_wait3A_241 : memref<!tpu.dma_semaphore, #tpu.memory_space<semaphore_mem>>) src(%dma_wait3A_245 : memref<40xi32, #tpu.memory_space<hbm>>) dst(%dma_wait3A_244 : memref<40xi32, #tpu.memory_space<vmem>>)
    %dma_start3A_246 = arith.constant 1 : i32
    %dma_start3A_247 = arith.constant 1 : i32
    %dma_start3A_248 = arith.constant 1 : i32
    %dma_start3A_249 = arith.constant 0 : i32
    %dma_start3A_250 = arith.constant 0 : i32
    %dma_start3A_251 = tpu.memref_slice %arg9[%dma_start3A_247, %dma_start3A_249, %dma_start3A_250] : memref<7x40x128xf32, #tpu.memory_space<vmem>> -> memref<1x40x128xf32, #tpu.memory_space<vmem>>
    %dma_start3A_252 = tpu.memref_squeeze %dma_start3A_251 : memref<1x40x128xf32, #tpu.memory_space<vmem>> -> memref<40x128xf32, #tpu.memory_space<vmem>>
    %dma_start3A_253 = arith.constant 0 : i32
    %dma_start3A_254 = tpu.memref_slice %arg7[%dma_start3A_246, %dma_start3A_253] : memref<8x40xi32, #tpu.memory_space<vmem>> -> memref<1x40xi32, #tpu.memory_space<vmem>>
    %dma_start3A_255 = tpu.memref_squeeze %dma_start3A_254 : memref<1x40xi32, #tpu.memory_space<vmem>> -> memref<40xi32, #tpu.memory_space<vmem>>
    %dma_start3A_256 = arith.constant 0 : i32
    %dma_start3A_257 = arith.constant 0 : i32
    %dma_start3A_258 = tpu.memref_slice %arg4[%dma_start3A_256, %dma_start3A_257] : memref<10000x128xf32, #tpu.memory_space<hbm>> -> memref<10000x128xf32, #tpu.memory_space<hbm>>
    %dma_start3A_259 = tpu.memref_slice %arg14[%dma_start3A_248] : memref<7x!tpu.dma_semaphore, #tpu.memory_space<semaphore_mem>> -> memref<1x!tpu.dma_semaphore, #tpu.memory_space<semaphore_mem>>
    %dma_start3A_260 = tpu.memref_squeeze %dma_start3A_259 : memref<1x!tpu.dma_semaphore, #tpu.memory_space<semaphore_mem>> -> memref<!tpu.dma_semaphore, #tpu.memory_space<semaphore_mem>>
    tpu.enqueue_indirect_dma source(%dma_start3A_258 : memref<10000x128xf32, #tpu.memory_space<hbm>>) target(%dma_start3A_252 : memref<40x128xf32, #tpu.memory_space<vmem>>) offsets(%dma_start3A_255 : memref<40xi32, #tpu.memory_space<vmem>>) semaphore(%dma_start3A_260 : memref<!tpu.dma_semaphore, #tpu.memory_space<semaphore_mem>>)
    %add3A_261 = arith.constant 80 : i32
    %add3A_262 = arith.addi %mul3A_24, %add3A_261 : i32
    %dma_wait3A_263 = arith.constant 2 : i32
    %dma_wait3A_264 = arith.constant 2 : i32
    %dma_wait3A_265 = arith.constant 0 : i32
    %dma_wait3A_266 = tpu.memref_slice %arg7[%dma_wait3A_263, %dma_wait3A_265] : memref<8x40xi32, #tpu.memory_space<vmem>> -> memref<1x40xi32, #tpu.memory_space<vmem>>
    %dma_wait3A_267 = tpu.memref_squeeze %dma_wait3A_266 : memref<1x40xi32, #tpu.memory_space<vmem>> -> memref<40xi32, #tpu.memory_space<vmem>>
    %dma_wait3A_268 = tpu.memref_slice %arg2[%add3A_262] : memref<320000xi32, #tpu.memory_space<hbm>> -> memref<40xi32, #tpu.memory_space<hbm>>
    %dma_wait3A_269 = tpu.memref_slice %arg13[%dma_wait3A_264] : memref<8x!tpu.dma_semaphore, #tpu.memory_space<semaphore_mem>> -> memref<1x!tpu.dma_semaphore, #tpu.memory_space<semaphore_mem>>
    %dma_wait3A_270 = tpu.memref_squeeze %dma_wait3A_269 : memref<1x!tpu.dma_semaphore, #tpu.memory_space<semaphore_mem>> -> memref<!tpu.dma_semaphore, #tpu.memory_space<semaphore_mem>>
    %dma_wait3A_271 = arith.constant 0 : i32
    %dma_wait3A_272 = tpu.memref_slice %arg7[%dma_wait3A_263, %dma_wait3A_271] : memref<8x40xi32, #tpu.memory_space<vmem>> -> memref<1x40xi32, #tpu.memory_space<vmem>>
    %dma_wait3A_273 = tpu.memref_squeeze %dma_wait3A_272 : memref<1x40xi32, #tpu.memory_space<vmem>> -> memref<40xi32, #tpu.memory_space<vmem>>
    %dma_wait3A_274 = tpu.memref_slice %arg2[%add3A_262] : memref<320000xi32, #tpu.memory_space<hbm>> -> memref<40xi32, #tpu.memory_space<hbm>>
    tpu.wait_dma2 semaphore(%dma_wait3A_270 : memref<!tpu.dma_semaphore, #tpu.memory_space<semaphore_mem>>) src(%dma_wait3A_274 : memref<40xi32, #tpu.memory_space<hbm>>) dst(%dma_wait3A_273 : memref<40xi32, #tpu.memory_space<vmem>>)
    %dma_wait3A_275 = arith.constant 2 : i32
    %dma_wait3A_276 = arith.constant 2 : i32
    %dma_wait3A_277 = arith.constant 0 : i32
    %dma_wait3A_278 = tpu.memref_slice %arg8[%dma_wait3A_275, %dma_wait3A_277] : memref<8x40xi32, #tpu.memory_space<vmem>> -> memref<1x40xi32, #tpu.memory_space<vmem>>
    %dma_wait3A_279 = tpu.memref_squeeze %dma_wait3A_278 : memref<1x40xi32, #tpu.memory_space<vmem>> -> memref<40xi32, #tpu.memory_space<vmem>>
    %dma_wait3A_280 = tpu.memref_slice %arg3[%add3A_262] : memref<320000xi32, #tpu.memory_space<hbm>> -> memref<40xi32, #tpu.memory_space<hbm>>
    %dma_wait3A_281 = tpu.memref_slice %arg13[%dma_wait3A_276] : memref<8x!tpu.dma_semaphore, #tpu.memory_space<semaphore_mem>> -> memref<1x!tpu.dma_semaphore, #tpu.memory_space<semaphore_mem>>
    %dma_wait3A_282 = tpu.memref_squeeze %dma_wait3A_281 : memref<1x!tpu.dma_semaphore, #tpu.memory_space<semaphore_mem>> -> memref<!tpu.dma_semaphore, #tpu.memory_space<semaphore_mem>>
    %dma_wait3A_283 = arith.constant 0 : i32
    %dma_wait3A_284 = tpu.memref_slice %arg8[%dma_wait3A_275, %dma_wait3A_283] : memref<8x40xi32, #tpu.memory_space<vmem>> -> memref<1x40xi32, #tpu.memory_space<vmem>>
    %dma_wait3A_285 = tpu.memref_squeeze %dma_wait3A_284 : memref<1x40xi32, #tpu.memory_space<vmem>> -> memref<40xi32, #tpu.memory_space<vmem>>
    %dma_wait3A_286 = tpu.memref_slice %arg3[%add3A_262] : memref<320000xi32, #tpu.memory_space<hbm>> -> memref<40xi32, #tpu.memory_space<hbm>>
    tpu.wait_dma2 semaphore(%dma_wait3A_282 : memref<!tpu.dma_semaphore, #tpu.memory_space<semaphore_mem>>) src(%dma_wait3A_286 : memref<40xi32, #tpu.memory_space<hbm>>) dst(%dma_wait3A_285 : memref<40xi32, #tpu.memory_space<vmem>>)
    %dma_start3A_287 = arith.constant 2 : i32
    %dma_start3A_288 = arith.constant 2 : i32
    %dma_start3A_289 = arith.constant 2 : i32
    %dma_start3A_290 = arith.constant 0 : i32
    %dma_start3A_291 = arith.constant 0 : i32
    %dma_start3A_292 = tpu.memref_slice %arg9[%dma_start3A_288, %dma_start3A_290, %dma_start3A_291] : memref<7x40x128xf32, #tpu.memory_space<vmem>> -> memref<1x40x128xf32, #tpu.memory_space<vmem>>
    %dma_start3A_293 = tpu.memref_squeeze %dma_start3A_292 : memref<1x40x128xf32, #tpu.memory_space<vmem>> -> memref<40x128xf32, #tpu.memory_space<vmem>>
    %dma_start3A_294 = arith.constant 0 : i32
    %dma_start3A_295 = tpu.memref_slice %arg7[%dma_start3A_287, %dma_start3A_294] : memref<8x40xi32, #tpu.memory_space<vmem>> -> memref<1x40xi32, #tpu.memory_space<vmem>>
    %dma_start3A_296 = tpu.memref_squeeze %dma_start3A_295 : memref<1x40xi32, #tpu.memory_space<vmem>> -> memref<40xi32, #tpu.memory_space<vmem>>
    %dma_start3A_297 = arith.constant 0 : i32
    %dma_start3A_298 = arith.constant 0 : i32
    %dma_start3A_299 = tpu.memref_slice %arg4[%dma_start3A_297, %dma_start3A_298] : memref<10000x128xf32, #tpu.memory_space<hbm>> -> memref<10000x128xf32, #tpu.memory_space<hbm>>
    %dma_start3A_300 = tpu.memref_slice %arg14[%dma_start3A_289] : memref<7x!tpu.dma_semaphore, #tpu.memory_space<semaphore_mem>> -> memref<1x!tpu.dma_semaphore, #tpu.memory_space<semaphore_mem>>
    %dma_start3A_301 = tpu.memref_squeeze %dma_start3A_300 : memref<1x!tpu.dma_semaphore, #tpu.memory_space<semaphore_mem>> -> memref<!tpu.dma_semaphore, #tpu.memory_space<semaphore_mem>>
    tpu.enqueue_indirect_dma source(%dma_start3A_299 : memref<10000x128xf32, #tpu.memory_space<hbm>>) target(%dma_start3A_293 : memref<40x128xf32, #tpu.memory_space<vmem>>) offsets(%dma_start3A_296 : memref<40xi32, #tpu.memory_space<vmem>>) semaphore(%dma_start3A_301 : memref<!tpu.dma_semaphore, #tpu.memory_space<semaphore_mem>>)
    %add3A_302 = arith.constant 120 : i32
    %add3A_303 = arith.addi %mul3A_24, %add3A_302 : i32
    %dma_wait3A_304 = arith.constant 3 : i32
    %dma_wait3A_305 = arith.constant 3 : i32
    %dma_wait3A_306 = arith.constant 0 : i32
    %dma_wait3A_307 = tpu.memref_slice %arg7[%dma_wait3A_304, %dma_wait3A_306] : memref<8x40xi32, #tpu.memory_space<vmem>> -> memref<1x40xi32, #tpu.memory_space<vmem>>
    %dma_wait3A_308 = tpu.memref_squeeze %dma_wait3A_307 : memref<1x40xi32, #tpu.memory_space<vmem>> -> memref<40xi32, #tpu.memory_space<vmem>>
    %dma_wait3A_309 = tpu.memref_slice %arg2[%add3A_303] : memref<320000xi32, #tpu.memory_space<hbm>> -> memref<40xi32, #tpu.memory_space<hbm>>
    %dma_wait3A_310 = tpu.memref_slice %arg13[%dma_wait3A_305] : memref<8x!tpu.dma_semaphore, #tpu.memory_space<semaphore_mem>> -> memref<1x!tpu.dma_semaphore, #tpu.memory_space<semaphore_mem>>
    %dma_wait3A_311 = tpu.memref_squeeze %dma_wait3A_310 : memref<1x!tpu.dma_semaphore, #tpu.memory_space<semaphore_mem>> -> memref<!tpu.dma_semaphore, #tpu.memory_space<semaphore_mem>>
    %dma_wait3A_312 = arith.constant 0 : i32
    %dma_wait3A_313 = tpu.memref_slice %arg7[%dma_wait3A_304, %dma_wait3A_312] : memref<8x40xi32, #tpu.memory_space<vmem>> -> memref<1x40xi32, #tpu.memory_space<vmem>>
    %dma_wait3A_314 = tpu.memref_squeeze %dma_wait3A_313 : memref<1x40xi32, #tpu.memory_space<vmem>> -> memref<40xi32, #tpu.memory_space<vmem>>
    %dma_wait3A_315 = tpu.memref_slice %arg2[%add3A_303] : memref<320000xi32, #tpu.memory_space<hbm>> -> memref<40xi32, #tpu.memory_space<hbm>>
    tpu.wait_dma2 semaphore(%dma_wait3A_311 : memref<!tpu.dma_semaphore, #tpu.memory_space<semaphore_mem>>) src(%dma_wait3A_315 : memref<40xi32, #tpu.memory_space<hbm>>) dst(%dma_wait3A_314 : memref<40xi32, #tpu.memory_space<vmem>>)
    %dma_wait3A_316 = arith.constant 3 : i32
    %dma_wait3A_317 = arith.constant 3 : i32
    %dma_wait3A_318 = arith.constant 0 : i32
    %dma_wait3A_319 = tpu.memref_slice %arg8[%dma_wait3A_316, %dma_wait3A_318] : memref<8x40xi32, #tpu.memory_space<vmem>> -> memref<1x40xi32, #tpu.memory_space<vmem>>
    %dma_wait3A_320 = tpu.memref_squeeze %dma_wait3A_319 : memref<1x40xi32, #tpu.memory_space<vmem>> -> memref<40xi32, #tpu.memory_space<vmem>>
    %dma_wait3A_321 = tpu.memref_slice %arg3[%add3A_303] : memref<320000xi32, #tpu.memory_space<hbm>> -> memref<40xi32, #tpu.memory_space<hbm>>
    %dma_wait3A_322 = tpu.memref_slice %arg13[%dma_wait3A_317] : memref<8x!tpu.dma_semaphore, #tpu.memory_space<semaphore_mem>> -> memref<1x!tpu.dma_semaphore, #tpu.memory_space<semaphore_mem>>
    %dma_wait3A_323 = tpu.memref_squeeze %dma_wait3A_322 : memref<1x!tpu.dma_semaphore, #tpu.memory_space<semaphore_mem>> -> memref<!tpu.dma_semaphore, #tpu.memory_space<semaphore_mem>>
    %dma_wait3A_324 = arith.constant 0 : i32
    %dma_wait3A_325 = tpu.memref_slice %arg8[%dma_wait3A_316, %dma_wait3A_324] : memref<8x40xi32, #tpu.memory_space<vmem>> -> memref<1x40xi32, #tpu.memory_space<vmem>>
    %dma_wait3A_326 = tpu.memref_squeeze %dma_wait3A_325 : memref<1x40xi32, #tpu.memory_space<vmem>> -> memref<40xi32, #tpu.memory_space<vmem>>
    %dma_wait3A_327 = tpu.memref_slice %arg3[%add3A_303] : memref<320000xi32, #tpu.memory_space<hbm>> -> memref<40xi32, #tpu.memory_space<hbm>>
    tpu.wait_dma2 semaphore(%dma_wait3A_323 : memref<!tpu.dma_semaphore, #tpu.memory_space<semaphore_mem>>) src(%dma_wait3A_327 : memref<40xi32, #tpu.memory_space<hbm>>) dst(%dma_wait3A_326 : memref<40xi32, #tpu.memory_space<vmem>>)
    %dma_start3A_328 = arith.constant 3 : i32
    %dma_start3A_329 = arith.constant 3 : i32
    %dma_start3A_330 = arith.constant 3 : i32
    %dma_start3A_331 = arith.constant 0 : i32
    %dma_start3A_332 = arith.constant 0 : i32
    %dma_start3A_333 = tpu.memref_slice %arg9[%dma_start3A_329, %dma_start3A_331, %dma_start3A_332] : memref<7x40x128xf32, #tpu.memory_space<vmem>> -> memref<1x40x128xf32, #tpu.memory_space<vmem>>
    %dma_start3A_334 = tpu.memref_squeeze %dma_start3A_333 : memref<1x40x128xf32, #tpu.memory_space<vmem>> -> memref<40x128xf32, #tpu.memory_space<vmem>>
    %dma_start3A_335 = arith.constant 0 : i32
    %dma_start3A_336 = tpu.memref_slice %arg7[%dma_start3A_328, %dma_start3A_335] : memref<8x40xi32, #tpu.memory_space<vmem>> -> memref<1x40xi32, #tpu.memory_space<vmem>>
    %dma_start3A_337 = tpu.memref_squeeze %dma_start3A_336 : memref<1x40xi32, #tpu.memory_space<vmem>> -> memref<40xi32, #tpu.memory_space<vmem>>
    %dma_start3A_338 = arith.constant 0 : i32
    %dma_start3A_339 = arith.constant 0 : i32
    %dma_start3A_340 = tpu.memref_slice %arg4[%dma_start3A_338, %dma_start3A_339] : memref<10000x128xf32, #tpu.memory_space<hbm>> -> memref<10000x128xf32, #tpu.memory_space<hbm>>
    %dma_start3A_341 = tpu.memref_slice %arg14[%dma_start3A_330] : memref<7x!tpu.dma_semaphore, #tpu.memory_space<semaphore_mem>> -> memref<1x!tpu.dma_semaphore, #tpu.memory_space<semaphore_mem>>
    %dma_start3A_342 = tpu.memref_squeeze %dma_start3A_341 : memref<1x!tpu.dma_semaphore, #tpu.memory_space<semaphore_mem>> -> memref<!tpu.dma_semaphore, #tpu.memory_space<semaphore_mem>>
    tpu.enqueue_indirect_dma source(%dma_start3A_340 : memref<10000x128xf32, #tpu.memory_space<hbm>>) target(%dma_start3A_334 : memref<40x128xf32, #tpu.memory_space<vmem>>) offsets(%dma_start3A_337 : memref<40xi32, #tpu.memory_space<vmem>>) semaphore(%dma_start3A_342 : memref<!tpu.dma_semaphore, #tpu.memory_space<semaphore_mem>>)
    %scan3A_343 = arith.constant 0 : i32
    %scan3A_344 = arith.constant 0 : i32
    %scan3A_345 = arith.constant 79 : i32
    %scan3A_346 = arith.addi %scan3A_344, %scan3A_345 : i32
    %scan3A_347 = arith.constant 1 : i32
    scf.for %scan3A_388 = %scan3A_344 to %scan3A_346 step %scan3A_347  : i32 {
      %dma_wait3A_389 = arith.constant 0 : i32
      %dma_wait3A_390 = tpu.memref_slice %arg12[%mul3A_16, %dma_wait3A_389] : memref<10112x128xf32, #tpu.memory_space<vmem_shared>> -> memref<8x128xf32, #tpu.memory_space<vmem_shared>>
      %dma_wait3A_391 = arith.constant 0 : i32
      %dma_wait3A_392 = tpu.memref_slice %arg12[%mul3A_16, %dma_wait3A_391] : memref<10112x128xf32, #tpu.memory_space<vmem_shared>> -> memref<8x128xf32, #tpu.memory_space<vmem_shared>>
      tpu.wait_dma2 semaphore(%arg16 : memref<!tpu.dma_semaphore, #tpu.memory_space<semaphore_mem>>) src(%arg10 : memref<8x128xf32, #tpu.memory_space<vmem>>) dst(%dma_wait3A_392 : memref<8x128xf32, #tpu.memory_space<vmem_shared>>)
    }
    %scan3A_348 = arith.constant 79 : i32
    %barrier3A = arith.constant 0 : index
    tpu.barrier barrier_id(%barrier3A)
    %scan3A_349 = arith.constant 0 : i32
    %scan3A_350 = arith.constant 0 : i32
    %scan3A_351 = arith.constant 250 : i32
    %scan3A_352 = arith.addi %scan3A_350, %scan3A_351 : i32
    %scan3A_353 = arith.constant 1 : i32
    scf.for %scan3A_388 = %scan3A_350 to %scan3A_352 step %scan3A_353  : i32 {
      %rem3A = arith.constant 7 : i32
      %rem3A_389 = arith.remsi %scan3A_388, %rem3A : i32
      %rem3A_390 = arith.constant 8 : i32
      %rem3A_391 = arith.remsi %scan3A_388, %rem3A_390 : i32
      %dma_wait3A_392 = arith.constant 0 : i32
      %dma_wait3A_393 = arith.constant 0 : i32
      %dma_wait3A_394 = tpu.memref_slice %arg9[%rem3A_389, %dma_wait3A_392, %dma_wait3A_393] : memref<7x40x128xf32, #tpu.memory_space<vmem>> -> memref<1x40x128xf32, #tpu.memory_space<vmem>>
      %dma_wait3A_395 = tpu.memref_squeeze %dma_wait3A_394 : memref<1x40x128xf32, #tpu.memory_space<vmem>> -> memref<40x128xf32, #tpu.memory_space<vmem>>
      %dma_wait3A_396 = arith.constant 0 : i32
      %dma_wait3A_397 = tpu.memref_slice %arg7[%rem3A_391, %dma_wait3A_396] : memref<8x40xi32, #tpu.memory_space<vmem>> -> memref<1x40xi32, #tpu.memory_space<vmem>>
      %dma_wait3A_398 = tpu.memref_squeeze %dma_wait3A_397 : memref<1x40xi32, #tpu.memory_space<vmem>> -> memref<40xi32, #tpu.memory_space<vmem>>
      %dma_wait3A_399 = arith.constant 0 : i32
      %dma_wait3A_400 = arith.constant 0 : i32
      %dma_wait3A_401 = tpu.memref_slice %arg4[%dma_wait3A_399, %dma_wait3A_400] : memref<10000x128xf32, #tpu.memory_space<hbm>> -> memref<10000x128xf32, #tpu.memory_space<hbm>>
      %dma_wait3A_402 = tpu.memref_slice %arg14[%rem3A_389] : memref<7x!tpu.dma_semaphore, #tpu.memory_space<semaphore_mem>> -> memref<1x!tpu.dma_semaphore, #tpu.memory_space<semaphore_mem>>
      %dma_wait3A_403 = tpu.memref_squeeze %dma_wait3A_402 : memref<1x!tpu.dma_semaphore, #tpu.memory_space<semaphore_mem>> -> memref<!tpu.dma_semaphore, #tpu.memory_space<semaphore_mem>>
      tpu.wait_indirect_dma semaphore(%dma_wait3A_403 : memref<!tpu.dma_semaphore, #tpu.memory_space<semaphore_mem>>) src(%dma_wait3A_401 : memref<10000x128xf32, #tpu.memory_space<hbm>>) dst(%dma_wait3A_395 : memref<40x128xf32, #tpu.memory_space<vmem>>)
      %dma_start3A_404 = arith.constant 0 : i32
      %dma_start3A_405 = arith.constant 0 : i32
      %dma_start3A_406 = tpu.memref_slice %arg9[%rem3A_389, %dma_start3A_404, %dma_start3A_405] : memref<7x40x128xf32, #tpu.memory_space<vmem>> -> memref<1x40x128xf32, #tpu.memory_space<vmem>>
      %dma_start3A_407 = tpu.memref_squeeze %dma_start3A_406 : memref<1x40x128xf32, #tpu.memory_space<vmem>> -> memref<40x128xf32, #tpu.memory_space<vmem>>
      %dma_start3A_408 = arith.constant 0 : i32
      %dma_start3A_409 = tpu.memref_slice %arg8[%rem3A_391, %dma_start3A_408] : memref<8x40xi32, #tpu.memory_space<vmem>> -> memref<1x40xi32, #tpu.memory_space<vmem>>
      %dma_start3A_410 = tpu.memref_squeeze %dma_start3A_409 : memref<1x40xi32, #tpu.memory_space<vmem>> -> memref<40xi32, #tpu.memory_space<vmem>>
      %dma_start3A_411 = arith.constant 0 : i32
      %dma_start3A_412 = arith.constant 0 : i32
      %dma_start3A_413 = tpu.memref_slice %arg12[%dma_start3A_411, %dma_start3A_412] : memref<10112x128xf32, #tpu.memory_space<vmem_shared>> -> memref<10112x128xf32, #tpu.memory_space<vmem_shared>>
      %dma_start3A_414 = tpu.memref_slice %arg15[%rem3A_389] : memref<7x!tpu.dma_semaphore, #tpu.memory_space<semaphore_mem>> -> memref<1x!tpu.dma_semaphore, #tpu.memory_space<semaphore_mem>>
      %dma_start3A_415 = tpu.memref_squeeze %dma_start3A_414 : memref<1x!tpu.dma_semaphore, #tpu.memory_space<semaphore_mem>> -> memref<!tpu.dma_semaphore, #tpu.memory_space<semaphore_mem>>
      tpu.enqueue_indirect_dma source(%dma_start3A_407 : memref<40x128xf32, #tpu.memory_space<vmem>>) target(%dma_start3A_413 : memref<10112x128xf32, #tpu.memory_space<vmem_shared>>) offsets(%dma_start3A_410 : memref<40xi32, #tpu.memory_space<vmem>>) semaphore(%dma_start3A_415 : memref<!tpu.dma_semaphore, #tpu.memory_space<semaphore_mem>>) {add = true}
      %ge3A = arith.constant 2 : i32
      %ge3A_416 = arith.cmpi sge, %scan3A_388, %ge3A : i32
      %convert_element_type3A = arith.extui %ge3A_416 : i1 to i32
      %cond3A = arith.constant 0 : i32
      %cond3A_417 = arith.cmpi ne, %convert_element_type3A, %cond3A : i32
      scf.if %cond3A_417 {
        %sub3A = arith.constant 2 : i32
        %sub3A_442 = arith.subi %scan3A_388, %sub3A : i32
        %rem3A_443 = arith.constant 7 : i32
        %rem3A_444 = arith.remsi %sub3A_442, %rem3A_443 : i32
        %sub3A_445 = arith.constant 2 : i32
        %sub3A_446 = arith.subi %scan3A_388, %sub3A_445 : i32
        %rem3A_447 = arith.constant 8 : i32
        %rem3A_448 = arith.remsi %sub3A_446, %rem3A_447 : i32
        %dma_wait3A_449 = arith.constant 0 : i32
        %dma_wait3A_450 = arith.constant 0 : i32
        %dma_wait3A_451 = tpu.memref_slice %arg9[%rem3A_444, %dma_wait3A_449, %dma_wait3A_450] : memref<7x40x128xf32, #tpu.memory_space<vmem>> -> memref<1x40x128xf32, #tpu.memory_space<vmem>>
        %dma_wait3A_452 = tpu.memref_squeeze %dma_wait3A_451 : memref<1x40x128xf32, #tpu.memory_space<vmem>> -> memref<40x128xf32, #tpu.memory_space<vmem>>
        %dma_wait3A_453 = arith.constant 0 : i32
        %dma_wait3A_454 = tpu.memref_slice %arg8[%rem3A_448, %dma_wait3A_453] : memref<8x40xi32, #tpu.memory_space<vmem>> -> memref<1x40xi32, #tpu.memory_space<vmem>>
        %dma_wait3A_455 = tpu.memref_squeeze %dma_wait3A_454 : memref<1x40xi32, #tpu.memory_space<vmem>> -> memref<40xi32, #tpu.memory_space<vmem>>
        %dma_wait3A_456 = arith.constant 0 : i32
        %dma_wait3A_457 = arith.constant 0 : i32
        %dma_wait3A_458 = tpu.memref_slice %arg12[%dma_wait3A_456, %dma_wait3A_457] : memref<10112x128xf32, #tpu.memory_space<vmem_shared>> -> memref<10112x128xf32, #tpu.memory_space<vmem_shared>>
        %dma_wait3A_459 = tpu.memref_slice %arg15[%rem3A_444] : memref<7x!tpu.dma_semaphore, #tpu.memory_space<semaphore_mem>> -> memref<1x!tpu.dma_semaphore, #tpu.memory_space<semaphore_mem>>
        %dma_wait3A_460 = tpu.memref_squeeze %dma_wait3A_459 : memref<1x!tpu.dma_semaphore, #tpu.memory_space<semaphore_mem>> -> memref<!tpu.dma_semaphore, #tpu.memory_space<semaphore_mem>>
        tpu.wait_indirect_dma semaphore(%dma_wait3A_460 : memref<!tpu.dma_semaphore, #tpu.memory_space<semaphore_mem>>) src(%dma_wait3A_452 : memref<40x128xf32, #tpu.memory_space<vmem>>) dst(%dma_wait3A_458 : memref<10112x128xf32, #tpu.memory_space<vmem_shared>>)
      } else {
      }
      %add3A_418 = arith.constant 6 : i32
      %add3A_419 = arith.addi %scan3A_388, %add3A_418 : i32
      %lt3A = arith.constant 250 : i32
      %lt3A_420 = arith.cmpi slt, %add3A_419, %lt3A : i32
      %convert_element_type3A_421 = arith.extui %lt3A_420 : i1 to i32
      %cond3A_422 = arith.constant 0 : i32
      %cond3A_423 = arith.cmpi ne, %convert_element_type3A_421, %cond3A_422 : i32
      scf.if %cond3A_423 {
        %add3A_442 = arith.constant 6 : i32
        %add3A_443 = arith.addi %scan3A_388, %add3A_442 : i32
        %add3A_444 = arith.constant 6 : i32
        %add3A_445 = arith.addi %scan3A_388, %add3A_444 : i32
        %rem3A_446 = arith.constant 8 : i32
        %rem3A_447 = arith.remsi %add3A_445, %rem3A_446 : i32
        %mul3A_448 = arith.constant 40 : i32
        %mul3A_449 = arith.muli %add3A_443, %mul3A_448 : i32
        %add3A_450 = arith.addi %mul3A_24, %mul3A_449 : i32
        %dma_start3A_451 = arith.constant 0 : i32
        %dma_start3A_452 = tpu.memref_slice %arg7[%rem3A_447, %dma_start3A_451] : memref<8x40xi32, #tpu.memory_space<vmem>> -> memref<1x40xi32, #tpu.memory_space<vmem>>
        %dma_start3A_453 = tpu.memref_squeeze %dma_start3A_452 : memref<1x40xi32, #tpu.memory_space<vmem>> -> memref<40xi32, #tpu.memory_space<vmem>>
        %dma_start3A_454 = tpu.memref_slice %arg2[%add3A_450] : memref<320000xi32, #tpu.memory_space<hbm>> -> memref<40xi32, #tpu.memory_space<hbm>>
        %dma_start3A_455 = tpu.memref_slice %arg13[%rem3A_447] : memref<8x!tpu.dma_semaphore, #tpu.memory_space<semaphore_mem>> -> memref<1x!tpu.dma_semaphore, #tpu.memory_space<semaphore_mem>>
        %dma_start3A_456 = tpu.memref_squeeze %dma_start3A_455 : memref<1x!tpu.dma_semaphore, #tpu.memory_space<semaphore_mem>> -> memref<!tpu.dma_semaphore, #tpu.memory_space<semaphore_mem>>
        %dma_start3A_457 = arith.constant 0 : i32
        %dma_start3A_458 = tpu.memref_slice %arg7[%rem3A_447, %dma_start3A_457] : memref<8x40xi32, #tpu.memory_space<vmem>> -> memref<1x40xi32, #tpu.memory_space<vmem>>
        %dma_start3A_459 = tpu.memref_squeeze %dma_start3A_458 : memref<1x40xi32, #tpu.memory_space<vmem>> -> memref<40xi32, #tpu.memory_space<vmem>>
        %dma_start3A_460 = tpu.memref_slice %arg2[%add3A_450] : memref<320000xi32, #tpu.memory_space<hbm>> -> memref<40xi32, #tpu.memory_space<hbm>>
        tpu.enqueue_dma source(%dma_start3A_460 : memref<40xi32, #tpu.memory_space<hbm>>) target(%dma_start3A_459 : memref<40xi32, #tpu.memory_space<vmem>>) target_semaphore(%dma_start3A_456 : memref<!tpu.dma_semaphore, #tpu.memory_space<semaphore_mem>>)
        %dma_start3A_461 = arith.constant 0 : i32
        %dma_start3A_462 = tpu.memref_slice %arg8[%rem3A_447, %dma_start3A_461] : memref<8x40xi32, #tpu.memory_space<vmem>> -> memref<1x40xi32, #tpu.memory_space<vmem>>
        %dma_start3A_463 = tpu.memref_squeeze %dma_start3A_462 : memref<1x40xi32, #tpu.memory_space<vmem>> -> memref<40xi32, #tpu.memory_space<vmem>>
        %dma_start3A_464 = tpu.memref_slice %arg3[%add3A_450] : memref<320000xi32, #tpu.memory_space<hbm>> -> memref<40xi32, #tpu.memory_space<hbm>>
        %dma_start3A_465 = tpu.memref_slice %arg13[%rem3A_447] : memref<8x!tpu.dma_semaphore, #tpu.memory_space<semaphore_mem>> -> memref<1x!tpu.dma_semaphore, #tpu.memory_space<semaphore_mem>>
        %dma_start3A_466 = tpu.memref_squeeze %dma_start3A_465 : memref<1x!tpu.dma_semaphore, #tpu.memory_space<semaphore_mem>> -> memref<!tpu.dma_semaphore, #tpu.memory_space<semaphore_mem>>
        %dma_start3A_467 = arith.constant 0 : i32
        %dma_start3A_468 = tpu.memref_slice %arg8[%rem3A_447, %dma_start3A_467] : memref<8x40xi32, #tpu.memory_space<vmem>> -> memref<1x40xi32, #tpu.memory_space<vmem>>
        %dma_start3A_469 = tpu.memref_squeeze %dma_start3A_468 : memref<1x40xi32, #tpu.memory_space<vmem>> -> memref<40xi32, #tpu.memory_space<vmem>>
        %dma_start3A_470 = tpu.memref_slice %arg3[%add3A_450] : memref<320000xi32, #tpu.memory_space<hbm>> -> memref<40xi32, #tpu.memory_space<hbm>>
        tpu.enqueue_dma source(%dma_start3A_470 : memref<40xi32, #tpu.memory_space<hbm>>) target(%dma_start3A_469 : memref<40xi32, #tpu.memory_space<vmem>>) target_semaphore(%dma_start3A_466 : memref<!tpu.dma_semaphore, #tpu.memory_space<semaphore_mem>>)
      } else {
      }
      %add3A_424 = arith.constant 4 : i32
      %add3A_425 = arith.addi %scan3A_388, %add3A_424 : i32
      %lt3A_426 = arith.constant 250 : i32
      %lt3A_427 = arith.cmpi slt, %add3A_425, %lt3A_426 : i32
      %convert_element_type3A_428 = arith.extui %lt3A_427 : i1 to i32
      %cond3A_429 = arith.constant 0 : i32
      %cond3A_430 = arith.cmpi ne, %convert_element_type3A_428, %cond3A_429 : i32
      scf.if %cond3A_430 {
        %add3A_442 = arith.constant 4 : i32
        %add3A_443 = arith.addi %scan3A_388, %add3A_442 : i32
        %rem3A_444 = arith.constant 7 : i32
        %rem3A_445 = arith.remsi %add3A_443, %rem3A_444 : i32
        %add3A_446 = arith.constant 4 : i32
        %add3A_447 = arith.addi %scan3A_388, %add3A_446 : i32
        %rem3A_448 = arith.constant 8 : i32
        %rem3A_449 = arith.remsi %add3A_447, %rem3A_448 : i32
        %add3A_450 = arith.constant 4 : i32
        %add3A_451 = arith.addi %scan3A_388, %add3A_450 : i32
        %mul3A_452 = arith.constant 40 : i32
        %mul3A_453 = arith.muli %add3A_451, %mul3A_452 : i32
        %add3A_454 = arith.addi %mul3A_24, %mul3A_453 : i32
        %dma_wait3A_455 = arith.constant 0 : i32
        %dma_wait3A_456 = tpu.memref_slice %arg7[%rem3A_449, %dma_wait3A_455] : memref<8x40xi32, #tpu.memory_space<vmem>> -> memref<1x40xi32, #tpu.memory_space<vmem>>
        %dma_wait3A_457 = tpu.memref_squeeze %dma_wait3A_456 : memref<1x40xi32, #tpu.memory_space<vmem>> -> memref<40xi32, #tpu.memory_space<vmem>>
        %dma_wait3A_458 = tpu.memref_slice %arg2[%add3A_454] : memref<320000xi32, #tpu.memory_space<hbm>> -> memref<40xi32, #tpu.memory_space<hbm>>
        %dma_wait3A_459 = tpu.memref_slice %arg13[%rem3A_449] : memref<8x!tpu.dma_semaphore, #tpu.memory_space<semaphore_mem>> -> memref<1x!tpu.dma_semaphore, #tpu.memory_space<semaphore_mem>>
        %dma_wait3A_460 = tpu.memref_squeeze %dma_wait3A_459 : memref<1x!tpu.dma_semaphore, #tpu.memory_space<semaphore_mem>> -> memref<!tpu.dma_semaphore, #tpu.memory_space<semaphore_mem>>
        %dma_wait3A_461 = arith.constant 0 : i32
        %dma_wait3A_462 = tpu.memref_slice %arg7[%rem3A_449, %dma_wait3A_461] : memref<8x40xi32, #tpu.memory_space<vmem>> -> memref<1x40xi32, #tpu.memory_space<vmem>>
        %dma_wait3A_463 = tpu.memref_squeeze %dma_wait3A_462 : memref<1x40xi32, #tpu.memory_space<vmem>> -> memref<40xi32, #tpu.memory_space<vmem>>
        %dma_wait3A_464 = tpu.memref_slice %arg2[%add3A_454] : memref<320000xi32, #tpu.memory_space<hbm>> -> memref<40xi32, #tpu.memory_space<hbm>>
        tpu.wait_dma2 semaphore(%dma_wait3A_460 : memref<!tpu.dma_semaphore, #tpu.memory_space<semaphore_mem>>) src(%dma_wait3A_464 : memref<40xi32, #tpu.memory_space<hbm>>) dst(%dma_wait3A_463 : memref<40xi32, #tpu.memory_space<vmem>>)
        %dma_wait3A_465 = arith.constant 0 : i32
        %dma_wait3A_466 = tpu.memref_slice %arg8[%rem3A_449, %dma_wait3A_465] : memref<8x40xi32, #tpu.memory_space<vmem>> -> memref<1x40xi32, #tpu.memory_space<vmem>>
        %dma_wait3A_467 = tpu.memref_squeeze %dma_wait3A_466 : memref<1x40xi32, #tpu.memory_space<vmem>> -> memref<40xi32, #tpu.memory_space<vmem>>
        %dma_wait3A_468 = tpu.memref_slice %arg3[%add3A_454] : memref<320000xi32, #tpu.memory_space<hbm>> -> memref<40xi32, #tpu.memory_space<hbm>>
        %dma_wait3A_469 = tpu.memref_slice %arg13[%rem3A_449] : memref<8x!tpu.dma_semaphore, #tpu.memory_space<semaphore_mem>> -> memref<1x!tpu.dma_semaphore, #tpu.memory_space<semaphore_mem>>
        %dma_wait3A_470 = tpu.memref_squeeze %dma_wait3A_469 : memref<1x!tpu.dma_semaphore, #tpu.memory_space<semaphore_mem>> -> memref<!tpu.dma_semaphore, #tpu.memory_space<semaphore_mem>>
        %dma_wait3A_471 = arith.constant 0 : i32
        %dma_wait3A_472 = tpu.memref_slice %arg8[%rem3A_449, %dma_wait3A_471] : memref<8x40xi32, #tpu.memory_space<vmem>> -> memref<1x40xi32, #tpu.memory_space<vmem>>
        %dma_wait3A_473 = tpu.memref_squeeze %dma_wait3A_472 : memref<1x40xi32, #tpu.memory_space<vmem>> -> memref<40xi32, #tpu.memory_space<vmem>>
        %dma_wait3A_474 = tpu.memref_slice %arg3[%add3A_454] : memref<320000xi32, #tpu.memory_space<hbm>> -> memref<40xi32, #tpu.memory_space<hbm>>
        tpu.wait_dma2 semaphore(%dma_wait3A_470 : memref<!tpu.dma_semaphore, #tpu.memory_space<semaphore_mem>>) src(%dma_wait3A_474 : memref<40xi32, #tpu.memory_space<hbm>>) dst(%dma_wait3A_473 : memref<40xi32, #tpu.memory_space<vmem>>)
        %dma_start3A_475 = arith.constant 0 : i32
        %dma_start3A_476 = arith.constant 0 : i32
        %dma_start3A_477 = tpu.memref_slice %arg9[%rem3A_445, %dma_start3A_475, %dma_start3A_476] : memref<7x40x128xf32, #tpu.memory_space<vmem>> -> memref<1x40x128xf32, #tpu.memory_space<vmem>>
        %dma_start3A_478 = tpu.memref_squeeze %dma_start3A_477 : memref<1x40x128xf32, #tpu.memory_space<vmem>> -> memref<40x128xf32, #tpu.memory_space<vmem>>
        %dma_start3A_479 = arith.constant 0 : i32
        %dma_start3A_480 = tpu.memref_slice %arg7[%rem3A_449, %dma_start3A_479] : memref<8x40xi32, #tpu.memory_space<vmem>> -> memref<1x40xi32, #tpu.memory_space<vmem>>
        %dma_start3A_481 = tpu.memref_squeeze %dma_start3A_480 : memref<1x40xi32, #tpu.memory_space<vmem>> -> memref<40xi32, #tpu.memory_space<vmem>>
        %dma_start3A_482 = arith.constant 0 : i32
        %dma_start3A_483 = arith.constant 0 : i32
        %dma_start3A_484 = tpu.memref_slice %arg4[%dma_start3A_482, %dma_start3A_483] : memref<10000x128xf32, #tpu.memory_space<hbm>> -> memref<10000x128xf32, #tpu.memory_space<hbm>>
        %dma_start3A_485 = tpu.memref_slice %arg14[%rem3A_445] : memref<7x!tpu.dma_semaphore, #tpu.memory_space<semaphore_mem>> -> memref<1x!tpu.dma_semaphore, #tpu.memory_space<semaphore_mem>>
        %dma_start3A_486 = tpu.memref_squeeze %dma_start3A_485 : memref<1x!tpu.dma_semaphore, #tpu.memory_space<semaphore_mem>> -> memref<!tpu.dma_semaphore, #tpu.memory_space<semaphore_mem>>
        tpu.enqueue_indirect_dma source(%dma_start3A_484 : memref<10000x128xf32, #tpu.memory_space<hbm>>) target(%dma_start3A_478 : memref<40x128xf32, #tpu.memory_space<vmem>>) offsets(%dma_start3A_481 : memref<40xi32, #tpu.memory_space<vmem>>) semaphore(%dma_start3A_486 : memref<!tpu.dma_semaphore, #tpu.memory_space<semaphore_mem>>)
      } else {
      }
      %get3A = arith.index_cast %rem3A_391 : i32 to index
      %get3A_431 = arith.constant 0 : index
      %get3A_432 = tpu.vector_load %arg8[%get3A, %get3A_431] {strides = array<i32>} : memref<8x40xi32, #tpu.memory_space<vmem>>, vector<16xi32>,
      tpu.vector_store_idx %arg11[%get3A_432], %broadcast_in_dim3A_3 {add = true} : memref<10112xf32, #tpu.memory_space<vmem>>[vector<16xi32>], vector<16xf32>,
      %get3A_433 = arith.index_cast %rem3A_391 : i32 to index
      %get3A_434 = arith.constant 16 : index
      %get3A_435 = tpu.vector_load %arg8[%get3A_433, %get3A_434] {strides = array<i32>} : memref<8x40xi32, #tpu.memory_space<vmem>>, vector<16xi32>,
      tpu.vector_store_idx %arg11[%get3A_435], %broadcast_in_dim3A_3 {add = true} : memref<10112xf32, #tpu.memory_space<vmem>>[vector<16xi32>], vector<16xf32>,
      %get3A_436 = arith.index_cast %rem3A_391 : i32 to index
      %get3A_437 = arith.constant 24 : index
      %get3A_438 = tpu.vector_load %arg8[%get3A_436, %get3A_437] {strides = array<i32>} : memref<8x40xi32, #tpu.memory_space<vmem>>, vector<16xi32>,
      %iota3A = tpu.iota {dimensions = array<i32: 0>} : vector<16xi32>
      %ge3A_439 = arith.constant 8 : i32
      %ge3A_440 = vector.broadcast %ge3A_439 : i32 to vector<16xi32>
      %ge3A_441 = arith.cmpi sge, %iota3A, %ge3A_440 : vector<16xi32>
      tpu.vector_store_idx %arg11[%get3A_438], %broadcast_in_dim3A_3 masked %ge3A_441 {add = true} : memref<10112xf32, #tpu.memory_space<vmem>>[vector<16xi32>], vector<16xf32>, vector<16xi1>
    }
    %scan3A_354 = arith.constant 250 : i32
    %dma_wait3A_355 = arith.constant 3 : i32
    %dma_wait3A_356 = arith.constant 0 : i32
    %dma_wait3A_357 = arith.constant 3 : i32
    %dma_wait3A_358 = arith.constant 0 : i32
    %dma_wait3A_359 = arith.constant 0 : i32
    %dma_wait3A_360 = tpu.memref_slice %arg9[%dma_wait3A_355, %dma_wait3A_358, %dma_wait3A_359] : memref<7x40x128xf32, #tpu.memory_space<vmem>> -> memref<1x40x128xf32, #tpu.memory_space<vmem>>
    %dma_wait3A_361 = tpu.memref_squeeze %dma_wait3A_360 : memref<1x40x128xf32, #tpu.memory_space<vmem>> -> memref<40x128xf32, #tpu.memory_space<vmem>>
    %dma_wait3A_362 = arith.constant 0 : i32
    %dma_wait3A_363 = tpu.memref_slice %arg8[%dma_wait3A_356, %dma_wait3A_362] : memref<8x40xi32, #tpu.memory_space<vmem>> -> memref<1x40xi32, #tpu.memory_space<vmem>>
    %dma_wait3A_364 = tpu.memref_squeeze %dma_wait3A_363 : memref<1x40xi32, #tpu.memory_space<vmem>> -> memref<40xi32, #tpu.memory_space<vmem>>
    %dma_wait3A_365 = arith.constant 0 : i32
    %dma_wait3A_366 = arith.constant 0 : i32
    %dma_wait3A_367 = tpu.memref_slice %arg12[%dma_wait3A_365, %dma_wait3A_366] : memref<10112x128xf32, #tpu.memory_space<vmem_shared>> -> memref<10112x128xf32, #tpu.memory_space<vmem_shared>>
    %dma_wait3A_368 = tpu.memref_slice %arg15[%dma_wait3A_357] : memref<7x!tpu.dma_semaphore, #tpu.memory_space<semaphore_mem>> -> memref<1x!tpu.dma_semaphore, #tpu.memory_space<semaphore_mem>>
    %dma_wait3A_369 = tpu.memref_squeeze %dma_wait3A_368 : memref<1x!tpu.dma_semaphore, #tpu.memory_space<semaphore_mem>> -> memref<!tpu.dma_semaphore, #tpu.memory_space<semaphore_mem>>
    tpu.wait_indirect_dma semaphore(%dma_wait3A_369 : memref<!tpu.dma_semaphore, #tpu.memory_space<semaphore_mem>>) src(%dma_wait3A_361 : memref<40x128xf32, #tpu.memory_space<vmem>>) dst(%dma_wait3A_367 : memref<10112x128xf32, #tpu.memory_space<vmem_shared>>)
    %dma_wait3A_370 = arith.constant 4 : i32
    %dma_wait3A_371 = arith.constant 1 : i32
    %dma_wait3A_372 = arith.constant 4 : i32
    %dma_wait3A_373 = arith.constant 0 : i32
    %dma_wait3A_374 = arith.constant 0 : i32
    %dma_wait3A_375 = tpu.memref_slice %arg9[%dma_wait3A_370, %dma_wait3A_373, %dma_wait3A_374] : memref<7x40x128xf32, #tpu.memory_space<vmem>> -> memref<1x40x128xf32, #tpu.memory_space<vmem>>
    %dma_wait3A_376 = tpu.memref_squeeze %dma_wait3A_375 : memref<1x40x128xf32, #tpu.memory_space<vmem>> -> memref<40x128xf32, #tpu.memory_space<vmem>>
    %dma_wait3A_377 = arith.constant 0 : i32
    %dma_wait3A_378 = tpu.memref_slice %arg8[%dma_wait3A_371, %dma_wait3A_377] : memref<8x40xi32, #tpu.memory_space<vmem>> -> memref<1x40xi32, #tpu.memory_space<vmem>>
    %dma_wait3A_379 = tpu.memref_squeeze %dma_wait3A_378 : memref<1x40xi32, #tpu.memory_space<vmem>> -> memref<40xi32, #tpu.memory_space<vmem>>
    %dma_wait3A_380 = arith.constant 0 : i32
    %dma_wait3A_381 = arith.constant 0 : i32
    %dma_wait3A_382 = tpu.memref_slice %arg12[%dma_wait3A_380, %dma_wait3A_381] : memref<10112x128xf32, #tpu.memory_space<vmem_shared>> -> memref<10112x128xf32, #tpu.memory_space<vmem_shared>>
    %dma_wait3A_383 = tpu.memref_slice %arg15[%dma_wait3A_372] : memref<7x!tpu.dma_semaphore, #tpu.memory_space<semaphore_mem>> -> memref<1x!tpu.dma_semaphore, #tpu.memory_space<semaphore_mem>>
    %dma_wait3A_384 = tpu.memref_squeeze %dma_wait3A_383 : memref<1x!tpu.dma_semaphore, #tpu.memory_space<semaphore_mem>> -> memref<!tpu.dma_semaphore, #tpu.memory_space<semaphore_mem>>
    tpu.wait_indirect_dma semaphore(%dma_wait3A_384 : memref<!tpu.dma_semaphore, #tpu.memory_space<semaphore_mem>>) src(%dma_wait3A_376 : memref<40x128xf32, #tpu.memory_space<vmem>>) dst(%dma_wait3A_382 : memref<10112x128xf32, #tpu.memory_space<vmem_shared>>)
    %barrier3A_385 = arith.constant 0 : index
    tpu.barrier barrier_id(%barrier3A_385)
    "tpu.region"() ({
      %run_scoped3A = tpu.sem_alloc : memref<!tpu.dma_semaphore, #tpu.memory_space<semaphore_mem>>
      %dma_start3A_388 = arith.constant 0 : i32
      %dma_start3A_389 = tpu.memref_slice %arg5[%arg0, %mul3A_16, %dma_start3A_388] : memref<2x10112x128xf32, #tpu.memory_space<hbm>> -> memref<1x632x128xf32, #tpu.memory_space<hbm>>
      %dma_start3A_390 = tpu.memref_squeeze %dma_start3A_389 : memref<1x632x128xf32, #tpu.memory_space<hbm>> -> memref<632x128xf32, #tpu.memory_space<hbm>>
      %dma_start3A_391 = arith.constant 0 : i32
      %dma_start3A_392 = tpu.memref_slice %arg12[%mul3A_16, %dma_start3A_391] : memref<10112x128xf32, #tpu.memory_space<vmem_shared>> -> memref<632x128xf32, #tpu.memory_space<vmem_shared>>
      tpu.enqueue_dma source(%dma_start3A_392 : memref<632x128xf32, #tpu.memory_space<vmem_shared>>) target(%dma_start3A_390 : memref<632x128xf32, #tpu.memory_space<hbm>>) target_semaphore(%run_scoped3A : memref<!tpu.dma_semaphore, #tpu.memory_space<semaphore_mem>>)
      %dma_wait3A_393 = arith.constant 0 : i32
      %dma_wait3A_394 = tpu.memref_slice %arg5[%arg0, %mul3A_16, %dma_wait3A_393] : memref<2x10112x128xf32, #tpu.memory_space<hbm>> -> memref<1x632x128xf32, #tpu.memory_space<hbm>>
      %dma_wait3A_395 = tpu.memref_squeeze %dma_wait3A_394 : memref<1x632x128xf32, #tpu.memory_space<hbm>> -> memref<632x128xf32, #tpu.memory_space<hbm>>
      %dma_wait3A_396 = arith.constant 0 : i32
      %dma_wait3A_397 = tpu.memref_slice %arg12[%mul3A_16, %dma_wait3A_396] : memref<10112x128xf32, #tpu.memory_space<vmem_shared>> -> memref<632x128xf32, #tpu.memory_space<vmem_shared>>
      tpu.wait_dma2 semaphore(%run_scoped3A : memref<!tpu.dma_semaphore, #tpu.memory_space<semaphore_mem>>) src(%dma_wait3A_397 : memref<632x128xf32, #tpu.memory_space<vmem_shared>>) dst(%dma_wait3A_395 : memref<632x128xf32, #tpu.memory_space<hbm>>)
      tpu.yield
    }) : () -> ()
    %mul3A_386 = arith.constant 10112 : i32
    %mul3A_387 = arith.muli %add3A, %mul3A_386 : i32
    "tpu.region"() ({
      %run_scoped3A = tpu.sem_alloc : memref<!tpu.dma_semaphore, #tpu.memory_space<semaphore_mem>>
      %dma_start3A_388 = tpu.memref_slice %arg6[%mul3A_387] : memref<323584xf32, #tpu.memory_space<hbm>> -> memref<10112xf32, #tpu.memory_space<hbm>>
      %dma_start3A_389 = tpu.memref_slice %arg6[%mul3A_387] : memref<323584xf32, #tpu.memory_space<hbm>> -> memref<10112xf32, #tpu.memory_space<hbm>>
      tpu.enqueue_dma source(%arg11 : memref<10112xf32, #tpu.memory_space<vmem>>) target(%dma_start3A_389 : memref<10112xf32, #tpu.memory_space<hbm>>) target_semaphore(%run_scoped3A : memref<!tpu.dma_semaphore, #tpu.memory_space<semaphore_mem>>)
      %dma_wait3A_390 = tpu.memref_slice %arg6[%mul3A_387] : memref<323584xf32, #tpu.memory_space<hbm>> -> memref<10112xf32, #tpu.memory_space<hbm>>
      %dma_wait3A_391 = tpu.memref_slice %arg6[%mul3A_387] : memref<323584xf32, #tpu.memory_space<hbm>> -> memref<10112xf32, #tpu.memory_space<hbm>>
      tpu.wait_dma2 semaphore(%run_scoped3A : memref<!tpu.dma_semaphore, #tpu.memory_space<semaphore_mem>>) src(%arg11 : memref<10112xf32, #tpu.memory_space<vmem>>) dst(%dma_wait3A_391 : memref<10112xf32, #tpu.memory_space<hbm>>)
      tpu.yield
    }) : () -> ()
    return
  }
}

module attributes {stable_mosaic.version = 14 : i64} {
  func.func @_combine_body(%arg0: i32, %arg1: memref<1000x128xf32, #tpu.memory_space<vmem>>, %arg2: memref<2x1000x128xf32, #tpu.memory_space<vmem>>, %arg3: memref<1000x32xf32, #tpu.memory_space<vmem>>, %arg4: memref<1000x128xf32, #tpu.memory_space<vmem>>) attributes {dimension_semantics = [#tpu.dimension_semantics<arbitrary>], iteration_bounds = array<i64: 10>, scalar_prefetch = 0 : i64, scratch_operands = 0 : i64, tpu.core_type = #tpu.core_type<tc>, window_params = [{transform_indices = @transform_0, window_bounds = array<i64: 1000, 128>}, {transform_indices = @transform_1, window_bounds = array<i64: 2, 1000, 128>}, {transform_indices = @transform_2, window_bounds = array<i64: 1000, 32>}, {transform_indices = @transform_3, window_bounds = array<i64: 1000, 128>}]} {
    %get3A = arith.constant 0 : index
    %get3A_0 = arith.constant 0 : index
    %get3A_1 = vector.load %arg1[%get3A, %get3A_0] : memref<1000x128xf32, #tpu.memory_space<vmem>>, vector<1000x128xf32>
    %get3A_2 = arith.constant 0 : index
    %get3A_3 = arith.constant 0 : index
    %get3A_4 = arith.constant 0 : index
    %get3A_5 = vector.load %arg2[%get3A_2, %get3A_3, %get3A_4] : memref<2x1000x128xf32, #tpu.memory_space<vmem>>, vector<1x1000x128xf32>
    %get3A_6 = vector.shape_cast %get3A_5 : vector<1x1000x128xf32> to vector<1000x128xf32>
    %add3A = arith.addf %get3A_1, %get3A_6 : vector<1000x128xf32>
    %get3A_7 = arith.constant 1 : index
    %get3A_8 = arith.constant 0 : index
    %get3A_9 = arith.constant 0 : index
    %get3A_10 = vector.load %arg2[%get3A_7, %get3A_8, %get3A_9] : memref<2x1000x128xf32, #tpu.memory_space<vmem>>, vector<1x1000x128xf32>
    %get3A_11 = vector.shape_cast %get3A_10 : vector<1x1000x128xf32> to vector<1000x128xf32>
    %add3A_12 = arith.addf %add3A, %get3A_11 : vector<1000x128xf32>
    %get3A_13 = arith.constant 0 : index
    %get3A_14 = arith.constant 0 : index
    %get3A_15 = vector.load %arg3[%get3A_13, %get3A_14] : memref<1000x32xf32, #tpu.memory_space<vmem>>, vector<1000x32xf32>
    %reduce_sum3A = arith.constant dense<0.000000e+00> : vector<1000xf32>
    %reduce_sum3A_16 = vector.multi_reduction <add>, %get3A_15, %reduce_sum3A [1] : vector<1000x32xf32> to vector<1000xf32>
    %broadcast_in_dim3A = vector.shape_cast %reduce_sum3A_16 : vector<1000xf32> to vector<1000x1xf32>
    %add3A_17 = arith.constant 1.000000e+00 : f32
    %add3A_18 = vector.broadcast %add3A_17 : f32 to vector<1000x1xf32>
    %add3A_19 = arith.addf %add3A_18, %broadcast_in_dim3A : vector<1000x1xf32>
    %div3A = vector.broadcast %add3A_19 : vector<1000x1xf32> to vector<1000x128xf32>
    %div3A_20 = arith.divf %add3A_12, %div3A : vector<1000x128xf32>
    %swap3A = arith.constant 0 : index
    %swap3A_21 = arith.constant 0 : index
    %swap3A_22 = vector.load %arg4[%swap3A, %swap3A_21] : memref<1000x128xf32, #tpu.memory_space<vmem>>, vector<1000x128xf32>
    tpu.vector_store %arg4[%swap3A, %swap3A_21], %div3A_20 {strides = array<i32>} : memref<1000x128xf32, #tpu.memory_space<vmem>>, vector<1000x128xf32>,
    return
  }
  func.func @transform_0(%arg0: i32) -> (i32, i32) {
    %c0_i32 = arith.constant 0 : i32
    %c0_i32_0 = arith.constant 0 : i32
    return %arg0, %c0_i32 : i32, i32
  }
  func.func @transform_1(%arg0: i32) -> (i32, i32, i32) {
    %c0_i32 = arith.constant 0 : i32
    %c0_i32_0 = arith.constant 0 : i32
    %c0_i32_1 = arith.constant 0 : i32
    return %c0_i32, %arg0, %c0_i32_0 : i32, i32, i32
  }
  func.func @transform_2(%arg0: i32) -> (i32, i32) {
    %c0_i32 = arith.constant 0 : i32
    %c0_i32_0 = arith.constant 0 : i32
    return %arg0, %c0_i32 : i32, i32
  }
  func.func @transform_3(%arg0: i32) -> (i32, i32) {
    %c0_i32 = arith.constant 0 : i32
    %c0_i32_0 = arith.constant 0 : i32
    return %arg0, %c0_i32 : i32, i32
  }
}

</mosaic_0001>

<sc_bundles>
// kernel: kernel.4.cloned.1.call-start
scs
__scs_entry_jumppad:
0x0: {  	(pc) =	sbr.rel $0x88, $3  }
0x1: {  	(tag) =	ssettag $0x0;
	lr =	simm.s32 $0x1  }
0x2: {  	[smem:$0x3F9E] =	sst lr;
	_ =	strace $0xD0000000  }
0x3: {  	_ = 	snop  }
0x4: {  	_ = 	snop  }
0x5: {  	_ = 	snop  }
0x6: {  	_ = 	snop  }
0x7: {  	_ = 	snop  }
__scs_overlays_trampoline_lowered:
0x8: {  	[smem:$0x3FAD] =	sst s0  }
0x9: {  	[smem:$0x3FAE] =	sst s1  }
0xa: {  	[smem:$0x3FAF] =	sst s2  }
0xb: {  	[smem:$0x3FB0] =	sst s3  }
0xc: {  	[smem:$0x3FB1] =	sst s4  }
0xd: {  	[smem:$0x3FB2] =	sst s5  }
0xe: {  	[smem:$0x3FB3] =	sst s6  }
0xf: {  	[smem:$0x3FB4] =	sst s7  }
0x10: {  	[smem:$0x3FB5] =	sst s8  }
0x11: {  	[smem:$0x3FB6] =	sst s9;
	s0 =	simm.s32 @!p0 $0x0  }
0x12: {  	s1 =	sld [smem:$0x3F9C];
	s0 =	simm.s32 @p0 $0x1  }
0x13: {  	[smem:$0x3FB7] =	sst s0;
	s0 =	simm.s32 @!p1 $0x0  }
0x14: {  	s2 =	sld [smem:$0x3F9B];
	s0 =	simm.s32 @p1 $0x1  }
0x15: {  	[smem:$0x3FB8] =	sst s0;
	s0 =	simm.s32 @!p2 $0x0  }
0x16: {  	s3 =	sld [smem:$0x3FDB];
	s0 =	simm.s32 @p2 $0x1  }
0x17: {  	s4 =	simm.s32 $0x1BF5;
	[smem:$0x3FBA] =	sst s0  }
0x18: {  	s0 =	sld [smem:$0x3F9D];
	_ =	swait.ge [sflag:s4], $0x0  }
0x19: {  	s7 =	sld [smem:$0x3F9E]  }
0x1a: {  	s8 =	sadd.s32 $0xFFFFE003, lr  }
0x1b: {  	s9 =	sadd.s32 $0xFFFFFEF7, lr;
	s5 =	simm.s32 $0xFFFFFFFF;
	p2 =	slt.u32 s8, $0xFFFFF086  }
0x1c: {  	p1 =	slt.u32 s9, $0xF7A;
	s5 =	simm.s32 @!p2 $0x0  }
0x1d: {  	s5 =	simm.s32 @p1 $0x1;
	p0 =	seq.s32 s7, s2  }
0x1e: {  	s7 =	smul.u32 @!p0 $0xF7A, s2;
	p2 =	seq.s32 @!p0 s5, $0x0  }
0x1f: {  	s9 =	smul.u32 $0xF7A, s1;
	s8 =	simm.s32 @!p0 $0x1BF5;
	p2 =	por !p2, p0  }
0x20: {  	[sflag:s8] =	ssyncset.s32 @!p0 $0xFFFFF086;
	s6 =	sadd.s32 @!p0 s3, s7;
	s7 =	simm.s32 @!p0 $0x108  }
0x21: {  	s3 =	sadd.s32 s3, s9;
	s6 =	sadd.s32 @!p0 $0x88, s6;
	s7 =	simm.s32 @p2 $0x1082  }
0x22: {  	[simem:s7], [sflag:s8] =	dma.local @!p0 [hbm:s6], $0xF7A  }
0x23: {  	s9 =	sor.u32 $0xD0000000, s2;
	s6 =	simm.s32 $0x108;
	_ =	swait.ge @!p0 [sflag:s8], $0x0  }
0x24: {  	s3 =	sadd.s32 $0x88, s3;
	s6 =	simm.s32 @!p1 $0x1082;
	[sflag:s4] =	ssyncset.s32 $0xFFFFF086  }
0x25: {  	[simem:s6], [sflag:s4] =	dma.local [hbm:s3], $0xF7A  }
0x26: {  	[smem:$0x3F9E] =	sst s1;
	(tag) =	ssettag s2;
	_ =	strace s9  }
0x27: {  	s1 =	sld [smem:$0x3FAE]  }
0x28: {  	s2 =	sld [smem:$0x3FAF]  }
0x29: {  	s4 =	sld [smem:$0x3FB1]  }
0x2a: {  	p0 =	seq.s32 s5, $0x0;
	s5 =	sld [smem:$0x3FB2]  }
0x2b: {  	s6 =	sld [smem:$0x3FB3]  }
0x2c: {  	s7 =	sld [smem:$0x3FB4]  }
0x2d: {  	s3 =	simm.s32 $0x108;
	s8 =	sld [smem:$0x3FB5]  }
0x2e: {  	s3 =	simm.s32 @!p0 $0x1082;
	s9 =	sld [smem:$0x3FB6]  }
0x2f: {  	lr =	sadd.s32 s0, s3;
	s0 =	sld [smem:$0x3FAD]  }
0x30: {  	s3 =	sld [smem:$0x3FB0]  }
0x31: {  	[smem:$0x3FB9] =	sst s10  }
0x32: {  	s10 =	sld [smem:$0x3FB7];
	_ =	sdelay $0x3  }
0x33: {  	p0 =	seq.s32 s10, $0x1;
	s10 =	sld [smem:$0x3FB9];
	_ =	sdelay $0x3  }
0x34: {  	[smem:$0x3FB9] =	sst s10  }
0x35: {  	s10 =	sld [smem:$0x3FB8];
	_ =	sdelay $0x3  }
0x36: {  	p1 =	seq.s32 s10, $0x1;
	s10 =	sld [smem:$0x3FB9];
	_ =	sdelay $0x3  }
0x37: {  	[smem:$0x3FB9] =	sst s10  }
0x38: {  	s10 =	sld [smem:$0x3FBA]  }
0x39: {  	_ = 	snop;
	(pc) =	sbr.ind lr, $3  }
0x3a: {  	_ = 	snop  }
0x3b: {  	_ = 	snop  }
0x3c: {  	p2 =	seq.s32 s10, $0x1;
	s10 =	sld [smem:$0x3FB9]  }
0x3d: {  	_ =	shalt  }
0x3e: {  	_ =	shalt  }
0x3f: {  	_ =	shalt  }
0x40: {  	_ =	shalt  }
0x41: {  	_ =	shalt  }
0x42: {  	_ =	shalt  }
0x43: {  	_ =	shalt  }
0x44: {  	_ =	shalt  }
0x45: {  	_ =	shalt  }
0x46: {  	_ =	shalt  }
0x47: {  	_ =	shalt  }
0x48: {  	_ =	shalt  }
0x49: {  	_ =	shalt  }
0x4a: {  	_ =	shalt  }
0x4b: {  	_ =	shalt  }
0x4c: {  	_ =	shalt  }
0x4d: {  	_ =	shalt  }
0x4e: {  	_ =	shalt  }
0x4f: {  	_ =	shalt  }
0x50: {  	_ =	shalt  }
0x51: {  	_ =	shalt  }
0x52: {  	_ =	shalt  }
0x53: {  	_ =	shalt  }
0x54: {  	_ =	shalt  }
0x55: {  	_ =	shalt  }
0x56: {  	_ =	shalt  }
0x57: {  	_ =	shalt  }
0x58: {  	_ =	shalt  }
0x59: {  	_ =	shalt  }
0x5a: {  	_ =	shalt  }
0x5b: {  	_ =	shalt  }
0x5c: {  	_ =	shalt  }
0x5d: {  	_ =	shalt  }
0x5e: {  	_ =	shalt  }
0x5f: {  	_ =	shalt  }
0x60: {  	_ =	shalt  }
0x61: {  	_ =	shalt  }
0x62: {  	_ =	shalt  }
0x63: {  	_ =	shalt  }
0x64: {  	_ =	shalt  }
0x65: {  	_ =	shalt  }
0x66: {  	_ =	shalt  }
0x67: {  	_ =	shalt  }
0x68: {  	_ =	shalt  }
0x69: {  	_ =	shalt  }
0x6a: {  	_ =	shalt  }
0x6b: {  	_ =	shalt  }
0x6c: {  	_ =	shalt  }
0x6d: {  	_ =	shalt  }
0x6e: {  	_ =	shalt  }
0x6f: {  	_ =	shalt  }
0x70: {  	_ =	shalt  }
0x71: {  	_ =	shalt  }
0x72: {  	_ =	shalt  }
0x73: {  	_ =	shalt  }
0x74: {  	_ =	shalt  }
0x75: {  	_ =	shalt  }
0x76: {  	_ =	shalt  }
0x77: {  	_ =	shalt  }
0x78: {  	_ =	shalt  }
0x79: {  	_ =	shalt  }
0x7a: {  	_ =	shalt  }
0x7b: {  	_ =	shalt  }
0x7c: {  	_ =	shalt  }
0x7d: {  	_ =	shalt  }
0x7e: {  	_ =	shalt  }
0x7f: {  	_ =	shalt  }
0x80: {  	_ =	shalt  }
0x81: {  	_ =	shalt  }
0x82: {  	_ =	shalt  }
0x83: {  	_ =	shalt  }
0x84: {  	_ =	shalt  }
0x85: {  	_ =	shalt  }
0x86: {  	_ =	shalt  }
0x87: {  	_ =	shalt  }
.Lfunc_end0:
.L_simem_size_0:
called_computation_lowered:
.L_overlay_start_0:
0x88: {  	s2 =	sld [smem:$0x3FD9]  }
0x89: {  	s3 =	sld [smem:$0x3FFE];
	_ =	sdelay $0x1  }
0x8a: {  	s1 =	srdreg.scid  }
0x8b: {  	s0 =	sand.u32 $0x1, s1  }
0x8c: {  	s17 =	sshll.u32 s0, $0xA;
	s2 =	sadd.s32 s3, s2  }
0x8d: {  	s2 =	sadd.s32 s2, s17  }
0x8e: {  	[smem:$0x3FC5] =	sst s2  }
0x8f: {  	_ = 	snop  }
0x90: {  	s2 =	sld [smem:$0x3FC8]  }
0x91: {  	s18 =	sld [smem:$0x3FD0];
	(tm) =	ssettm $0x1  }
0x92: {  	s4 =	sld [smem:$0x3FFB];
	_ =	sdelay $0x3  }
0x93: {  	_ =	strace s4  }
0x94: {  	s4 =	sld [smem:$0x3FFC];
	_ =	sdelay $0x3  }
0x95: {  	_ =	strace s4  }
0x96: {  	s4 =	sld [smem:$0x3FFD];
	_ =	sdelay $0x3  }
0x97: {  	_ =	strace s4  }
0x98: {  	_ =	strace $0x8FFFFFFF  }
0x99: {  	s19 =	sld [smem:$0x3FDB];
	_ =	sdelay $0x1  }
0x9a: {  	s5 =	simm.s32 $_scs_section_size  }
0x9b: {  	s6 =	simm.s32 $_size__tile_overlayer_lowered;
	s7 =	simm.s32 $_tile_overlayer_lowered  }
0x9c: {  	s22 =	simm.s32 $0x1BFF;
	s21 =	sshll.u32 s7, $0x1;
	s4 =	sadd.s32 s5, s19  }
0x9d: {  	s8 =	simm.s32 $0x0;
	s20 =	sshll.u32 s6, $0x1;
	s6 =	sadd.s32 s21, s4  }
0x9e: {  	[timem:s8], [sflag:s22] =	dma.local [hbm:s6], s20  }
0x9f: {  	_ =	swait.ge [sflag:s22], s20  }
0xa0: {  	s5 =	ssub.s32 $0x0, s20;
	[sflag:s22] =	ssyncset.done $0x0  }
0xa1: {  	[sflag:s22] =	ssyncadd.s32 s5;
	_ =	sdelay $0x1  }
0xa2: {  	s23 =	simm.s32 $0x1B8B  }
0xa3: {  	_ =	swait.ge [sflag:s23], $0x1  }
0xa4: {  	[sflag:s23] =	ssyncset.done $0x0  }
0xa5: {  	s25 =	simm.s32 $0x1B8E;
	s24 =	sld [smem:$0x3FFE];
	[sflag:s23] =	ssyncadd.s32 $0xFFFFFFFF  }
0xa6: {  	s26 =	simm.s32 $execute0_lowered;
	[smem:$0x3FD2] =	sst s25  }
0xa7: {  	s6 =	sshll.u32 s26, $0x1;
	_ =	strace $0x80000046;
	[dreg:$0x1] =	wrdreg $0xFFFFFFFF  }
0xa8: {  	s28 =	simm.s32 $_size_execute0_lowered;
	s4 =	sadd.s32 s4, s6;
	[dreg:$0x0] =	wrdreg $0x0  }
0xa9: {  	s6 =	sshll.u32 s28, $0x1;
	[dreg:$0x2] =	wrdreg s4  }
0xaa: {  	[dreg:$0x3] =	wrdreg s6  }
0xab: {  	[dreg:$0x4] =	wrdreg $0xC0  }
0xac: {  	_ =	task [dreg:s8], $0x5FFFF  }
0xad: {  	[dreg:$0x1] =	wrdreg $0xFFFFFFFF  }
0xae: {  	[dreg:$0x0] =	wrdreg $0x60  }
0xaf: {  	[dreg:$0x2] =	wrdreg s24  }
0xb0: {  	[dreg:$0x3] =	wrdreg s2  }
0xb1: {  	[dreg:$0x4] =	wrdreg s18  }
0xb2: {  	[dreg:$0x5] =	wrdreg $0xBF800  }
0xb3: {  	[dreg:$0x6] =	wrdreg $0x9  }
0xb4: {  	_ =	task.clear_ibuf [dreg:s8], $0x7FFFF;
	_ =	strace $0x90000046  }
0xb5: {  	s29 =	simm.s32 $0x9;
	_ =	strace $0x80000048  }
0xb6: {  	_ =	swait.ge [sflag:s29], $0x1  }
0xb7: {  	[sflag:s29] =	ssyncadd.s32 $0xFFFFFFFF  }
0xb8: {  	_ =	strace $0x90000048  }
0xb9: {  	_ =	sfence  }
0xba: {  	s30 =	sld [smem:$0x0];
	_ =	sdelay $0x2  }
0xbb: {  	s31 =	sshll.u32 s1, $0xD;
	s1 =	sshrl.u32 s1, $0x2  }
0xbc: {  	s3 =	sand.u32 $0x4000, s31;
	s1 =	sadd.s32 s1, s30  }
0xbd: {  	s0 =	sor.u32 s3, s0;
	s1 =	sshll.u32 s1, $0x11  }
0xbe: {  	s0 =	sor.u32 s1, s0  }
0xbf: {  	s0 =	sadd.s32 $0x8F2B, s0  }
0xc0: {  	[sflag:s0] =	ssyncadd.remote.s32 $0x1  }
0xc1: {  	_ =	sfence.sel $0xFFFF  }
0xc2: {  	[dreg:$0x0] =	wrdreg $0xFFFFFFFF;
	(pc) =	sbr.abs _section_cstart, $3  }
0xc3: {  	[dreg:$0x1] =	wrdreg $0xFFFFFFFF  }
0xc4: {  	_ =	task.clear_ibuf [dreg:s8], $0x2FFFF;
	_ =	strace $0x9FFFFFFF  }
0xc5: {  	(tm) =	ssettm $0x7FFFFFFF  }
tec
execute0_lowered:
.L_overlay_start_1:
0x0: {  	(tag) =	ssettag $0x1  }
0x1: {  	s0 =	rddreg [dreg:$0x0]  }
0x2: {  	s1 =	rddreg [dreg:$0x1]  }
0x3: {  	s3 =	rddreg [dreg:$0x2]  }
0x4: {  	s2 =	rddreg [dreg:$0x3]  }
0x5: {  	s4 =	srdreg.scid;
	s16 =	stileid.u32  }
0x6: {  	s28 =	simm.s32 $0x100;
	s30 =	simm.s32 $0x180;
	s29 =	simm.s32 $0x1  }
0x7: {  	s31 =	simm.s32 $0x28;
	s6 =	sand.u32 $0x1, s4;
	s7 =	smul.u32 $0x13C00, s16  }
0x8: {  	s4 =	simm.s32 $0x0;
	s8 =	sadd.s32 $0xA800, s0;
	s11 =	smul.u32 $0x4F000, s16  }
0x9: {  	s9 =	sadd.s32 $0xA00, s0;
	s22 =	sshll.u32 s16, $0x1;
	s21 =	smul.u32 $0x4E20, s16  }
0xa: {  	s5 =	smul.u32 $0x13C000, s6;
	[smem:$0x7FF] =	sst s4;
	s10 =	ssub.s32 $0x2, s6  }
0xb: {  	_ =	strace $0x80000047;
	s12 =	sshrl.u32 s10, $0x1;
	s23 =	sshrl.u32 s11, $0x2  }
0xc: {  	s5 =	sadd.s32 s7, s5;
	s7 =	sor.u32 s6, s22;
	s6 =	smul.u32 $0x2710, s6  }
0xd: {  	s10 =	ssub.s32 s10, s12;
	s5 =	sshrl.u32 s5, $0x3;
	s13 =	smul.u32 $0x2710, s7  }
0xe: {  	s7 =	smul.u32 $0x4F0, s7;
	s0 =	sadd.s32 s5, s0;
	s5 =	sadd.s32 s23, s2  }
0xf: {  	s6 =	sadd.s32 s6, s21;
	s24 =	sshrl.u32 s13, $0x3;
	s25 =	sadd.s32 $0x28, s13  }
0x10: {  	s23 =	sadd.s32 $0xC8, s13;
	s6 =	sadd.s32 $0xF0, s6;
	s0 =	sadd.s32 $0x14600, s0  }
0x11: {  	s14 =	sadd.s32 s8, s24;
	s26 =	sadd.s32 s9, s24;
	[dreg:$0x11] =	wrdreg s0  }
0x12: {  	s12 =	sshrl.u32 s25, $0x3;
	s17 =	sadd.s32 $0xA, s24;
	[dreg:$0x5] =	wrdreg s14  }
0x13: {  	s11 =	sadd.s32 $0x14, s24;
	s25 =	sadd.s32 s3, s7;
	[dreg:$0x6] =	wrdreg s26  }
0x14: {  	s3 =	simm.s32 $0x2;
	s15 =	sadd.s32 s8, s12;
	[dreg:$0x12] =	wrdreg s25  }
0x15: {  	s0 =	simm.s32 $0x17;
	s12 =	sadd.s32 s9, s12;
	[dreg:$0x7] =	wrdreg s15  }
0x16: {  	s7 =	simm.s32 $0x13;
	s18 =	sadd.s32 s8, s17;
	[dreg:$0x8] =	wrdreg s12  }
0x17: {  	s14 =	sadd.s32 s9, s17;
	s22 =	sadd.s32 s8, s11;
	[dreg:$0x9] =	wrdreg s18  }
0x18: {  	s11 =	sadd.s32 s9, s11;
	s26 =	sshrl.u32 s6, $0x3;
	[dreg:$0xa] =	wrdreg s14  }
0x19: {  	s6 =	simm.s32 $0x9800;
	s15 =	sadd.s32 $0x78, s13;
	[dreg:$0xd] =	wrdreg s22  }
0x1a: {  	[dreg:$0xe] =	wrdreg s11;
	s11 =	sshrl.u32 s23, $0x3;
	s13 =	sadd.s32 s26, s9  }
0x1b: {  	s23 =	simm.s32 $0x9400;
	s19 =	sshrl.u32 s15, $0x3;
	s24 =	sadd.s32 s8, s11  }
.Ltmp0:
0x1c: {  	s11 =	sadd.s32 s9, s11;
	[dreg:$0xf] =	wrdreg s24;
	(pc) =	sbr.rel .LBB2_1-.Ltmp0, $4  }
0x1d: {  	s20 =	sadd.s32 s8, s19;
	s12 =	sadd.s32 s9, s19;
	[dreg:$0x10] =	wrdreg s11  }
0x1e: {  	s24 =	simm.s32 $0x4;
	s9 =	simm.s32 $0x18;
	[dreg:$0xb] =	wrdreg s20  }
0x1f: {  	[dreg:$0xc] =	wrdreg s12;
	s20 =	smax.u32 s10, $0x1;
	s12 =	sadd.s32 s26, s8  }
0x20: {  	v0 =	vimm.f32 $0.0e+00;
	v1 =	vimm.f32 $1.000000000e+00;
	vm0 =	vcmask $0x3F20;
	s26 =	simm.s32 $0x3;
	s8 =	simm.s32 $0x14;
	s10 =	simm.s32 $0x0  }
.LBB2_13:
0x21: {  	_ =	swait.ge [sflag:s7], $0x1400  }
0x22: {  	[sflag:s7] =	ssyncset.done $0x0  }
0x23: {  	[sflag:s7] =	ssyncadd.s32 $0xFFFFEC00  }
0x24: {  	_ =	swait.ge [sflag:s8], $0x1400  }
0x25: {  	[sflag:s8] =	ssyncset.done $0x0  }
0x26: {  	s11 =	stileid.u32;
	[sflag:s8] =	ssyncadd.s32 $0xFFFFEC00  }
0x27: {  	s11 =	sshll.u32 s11, $0x6;
	[bflag:$0x0] =	sbarrier.arrive $0xFFFF  }
0x28: {  	s14 =	sshrl.u32 s5, $0x3;
	s11 =	sor.u32 $0x1C18, s11;
	s15 =	rddreg [dreg:$0x11]  }
0x29: {  	[hbm:s15], [sflag:s11] =	dma.local [spmem:s14], $0x2780  }
0x2a: {  	s10 =	sadd.s32 $0x1, s10;
	_ =	swait.ge [sflag:s9], $0x2780  }
0x2b: {  	p0 =	sne.s32 s10, s20;
	[sflag:s9] =	ssyncset.done $0x0  }
.Ltmp1:
0x2c: {  	s25 =	rddreg [dreg:$0x12];
	[sflag:s9] =	ssyncadd.s32 $0xFFFFD880;
	(pc) =	sbr.rel @!p0 .LBB2_14-.Ltmp1, $4  }
0x2d: {  	[hbm4b:s25+s4] =	stream.linear.scatter [tilespmem:s6], [sflag:$0x18], $0x2780, $0x38;
	[tilespmem:$0x1FB80] =	vst v63  }
0x2e: {  	_ =	swait.ge [sflag:s9], $0x2780  }
0x2f: {  	[sflag:s9] =	ssyncset.done $0x0  }
0x30: {  	[sflag:s9] =	ssyncadd.s32 $0xFFFFD880  }
.LBB2_1:
0x31: {  	[tilespmem:$0x9400] =	vst v0  }
0x32: {  	[tilespmem:$0x9410] =	vst v0  }
0x33: {  	[tilespmem:$0x9420] =	vst v0  }
0x34: {  	[tilespmem:$0x9430] =	vst v0  }
0x35: {  	[tilespmem:$0x9440] =	vst v0  }
0x36: {  	[tilespmem:$0x9450] =	vst v0  }
0x37: {  	[tilespmem:$0x9460] =	vst v0  }
0x38: {  	[tilespmem:$0x9470] =	vst v0  }
0x39: {  	[tilespmem:$0x9480] =	vst v0  }
0x3a: {  	[tilespmem:$0x9490] =	vst v0  }
0x3b: {  	[tilespmem:$0x94A0] =	vst v0  }
0x3c: {  	[tilespmem:$0x94B0] =	vst v0  }
0x3d: {  	[tilespmem:$0x94C0] =	vst v0  }
0x3e: {  	[tilespmem:$0x94D0] =	vst v0  }
0x3f: {  	[tilespmem:$0x94E0] =	vst v0  }
0x40: {  	[tilespmem:$0x94F0] =	vst v0  }
0x41: {  	[tilespmem:$0x9500] =	vst v0  }
0x42: {  	[tilespmem:$0x9510] =	vst v0  }
0x43: {  	[tilespmem:$0x9520] =	vst v0  }
0x44: {  	[tilespmem:$0x9530] =	vst v0  }
0x45: {  	[tilespmem:$0x9540] =	vst v0  }
0x46: {  	[tilespmem:$0x9550] =	vst v0  }
0x47: {  	[tilespmem:$0x9560] =	vst v0  }
0x48: {  	[tilespmem:$0x9570] =	vst v0  }
0x49: {  	[tilespmem:$0x9580] =	vst v0  }
0x4a: {  	[tilespmem:$0x9590] =	vst v0  }
0x4b: {  	[tilespmem:$0x95A0] =	vst v0  }
0x4c: {  	[tilespmem:$0x95B0] =	vst v0  }
0x4d: {  	[tilespmem:$0x95C0] =	vst v0  }
0x4e: {  	[tilespmem:$0x95D0] =	vst v0  }
0x4f: {  	[tilespmem:$0x95E0] =	vst v0  }
0x50: {  	[tilespmem:$0x95F0] =	vst v0  }
0x51: {  	[tilespmem:$0x9600] =	vst v0  }
0x52: {  	[tilespmem:$0x9610] =	vst v0  }
0x53: {  	[tilespmem:$0x9620] =	vst v0  }
0x54: {  	[tilespmem:$0x9630] =	vst v0  }
0x55: {  	[tilespmem:$0x9640] =	vst v0  }
0x56: {  	[tilespmem:$0x9650] =	vst v0  }
0x57: {  	[tilespmem:$0x9660] =	vst v0  }
0x58: {  	[tilespmem:$0x9670] =	vst v0  }
0x59: {  	[tilespmem:$0x9680] =	vst v0  }
0x5a: {  	[tilespmem:$0x9690] =	vst v0  }
0x5b: {  	[tilespmem:$0x96A0] =	vst v0  }
0x5c: {  	[tilespmem:$0x96B0] =	vst v0  }
0x5d: {  	[tilespmem:$0x96C0] =	vst v0  }
0x5e: {  	[tilespmem:$0x96D0] =	vst v0  }
0x5f: {  	[tilespmem:$0x96E0] =	vst v0  }
0x60: {  	[tilespmem:$0x96F0] =	vst v0  }
0x61: {  	[tilespmem:$0x9700] =	vst v0  }
0x62: {  	[tilespmem:$0x9710] =	vst v0  }
0x63: {  	[tilespmem:$0x9720] =	vst v0  }
0x64: {  	[tilespmem:$0x9730] =	vst v0  }
0x65: {  	[tilespmem:$0x9740] =	vst v0  }
0x66: {  	[tilespmem:$0x9750] =	vst v0  }
0x67: {  	[tilespmem:$0x9760] =	vst v0  }
0x68: {  	[tilespmem:$0x9770] =	vst v0  }
0x69: {  	[tilespmem:$0x9780] =	vst v0  }
0x6a: {  	[tilespmem:$0x9790] =	vst v0  }
0x6b: {  	[tilespmem:$0x97A0] =	vst v0  }
0x6c: {  	[tilespmem:$0x97B0] =	vst v0  }
0x6d: {  	[tilespmem:$0x97C0] =	vst v0  }
0x6e: {  	[tilespmem:$0x97D0] =	vst v0  }
0x6f: {  	[tilespmem:$0x97E0] =	vst v0  }
0x70: {  	[tilespmem:$0x97F0] =	vst v0;
	s11 =	simm.s32 $0x0  }
.LBB2_2:
0x71: {  	p0 =	sne.s32 s11, $0x9DC0  }
.Ltmp2:
0x72: {  	_ = 	snop;
	(pc) =	sbr.rel @p0 .LBB2_2-.Ltmp2, $3  }
0x73: {  	_ =	sdelay $0x1  }
0x74: {  	s14 =	sshra.s32 s11, $0x2  }
0x75: {  	s11 =	sadd.s32 $0x40, s11;
	[tilespmem:s14+$0x9800] =	vst v0  }
0x76: {  	s11 =	simm.s32 $0x1000;
	s14 =	sadd.s32 $0x0, s5  }
.LBB2_4:
0x77: {  	[spmem:s14] =	stream.linear.scatter [tilespmem:s23], [sflag:$0x17], $0x400, $0x38;
	[tilespmem:$0x1FB80] =	vst v63  }
0x78: {  	s14 =	smov.u32 s11;
	p0 =	sne.s32 s11, $0x4E000  }
.Ltmp3:
0x79: {  	s11 =	sadd.s32 $0x1000, s11;
	(pc) =	sbr.rel @p0 .LBB2_4-.Ltmp3, $3  }
0x7a: {  	_ =	sdelay $0x1  }
0x7b: {  	s14 =	sshra.s32 s14, $0x2  }
0x7c: {  	s14 =	sadd.s32 s14, s5  }
0x7d: {  	[spmem:s14] =	stream.linear.scatter [tilespmem:s23], [sflag:$0x17], $0x400, $0x38;
	[tilespmem:$0x1FB80] =	vst v63  }
0x7e: {  	s11 =	rddreg [dreg:$0x5]  }
0x7f: {  	[tilespmem:s4], [sflag:$0x1] =	stream.linear.gather [hbm4b:s11+s4], $0x28, $0x38;
	[tilespmem:$0x1FB80] =	vst v63  }
0x80: {  	s16 =	rddreg [dreg:$0x6];
	s17 =	simm.s32 $0x400  }
0x81: {  	[tilespmem:s17], [sflag:$0x1] =	stream.linear.gather [hbm4b:s16+s4], $0x28, $0x38;
	[tilespmem:$0x1FB80] =	vst v63  }
0x82: {  	s18 =	rddreg [dreg:$0x7];
	s14 =	simm.s32 $0x80  }
0x83: {  	[tilespmem:s14], [sflag:$0x2] =	stream.linear.gather [hbm4b:s18+s4], $0x28, $0x38;
	[tilespmem:$0x1FB80] =	vst v63  }
0x84: {  	s19 =	rddreg [dreg:$0x8];
	s15 =	simm.s32 $0x480  }
0x85: {  	[tilespmem:s15], [sflag:$0x2] =	stream.linear.gather [hbm4b:s19+s4], $0x28, $0x38;
	[tilespmem:$0x1FB80] =	vst v63  }
0x86: {  	s21 =	rddreg [dreg:$0x9]  }
0x87: {  	[tilespmem:s28], [sflag:$0x3] =	stream.linear.gather [hbm4b:s21+s4], $0x28, $0x38;
	[tilespmem:$0x1FB80] =	vst v63  }
0x88: {  	s22 =	rddreg [dreg:$0xa];
	s25 =	simm.s32 $0x500  }
0x89: {  	[tilespmem:s25], [sflag:$0x3] =	stream.linear.gather [hbm4b:s22+s4], $0x28, $0x38;
	[tilespmem:$0x1FB80] =	vst v63  }
0x8a: {  	s16 =	rddreg [dreg:$0xb]  }
0x8b: {  	[tilespmem:s30], [sflag:$0x4] =	stream.linear.gather [hbm4b:s16+s4], $0x28, $0x38;
	[tilespmem:$0x1FB80] =	vst v63  }
0x8c: {  	s17 =	rddreg [dreg:$0xc];
	s18 =	simm.s32 $0x580  }
0x8d: {  	[tilespmem:s18], [sflag:$0x4] =	stream.linear.gather [hbm4b:s17+s4], $0x28, $0x38;
	[tilespmem:$0x1FB80] =	vst v63  }
0x8e: {  	s19 =	rddreg [dreg:$0xd];
	s21 =	simm.s32 $0x200  }
0x8f: {  	[tilespmem:s21], [sflag:$0x5] =	stream.linear.gather [hbm4b:s19+s4], $0x28, $0x38;
	[tilespmem:$0x1FB80] =	vst v63  }
0x90: {  	s22 =	rddreg [dreg:$0xe];
	s25 =	simm.s32 $0x600  }
0x91: {  	[tilespmem:s25], [sflag:$0x5] =	stream.linear.gather [hbm4b:s22+s4], $0x28, $0x38;
	[tilespmem:$0x1FB80] =	vst v63  }
0x92: {  	s15 =	rddreg [dreg:$0xf];
	s16 =	simm.s32 $0x280  }
0x93: {  	[tilespmem:s16], [sflag:$0x6] =	stream.linear.gather [hbm4b:s15+s4], $0x28, $0x38;
	[tilespmem:$0x1FB80] =	vst v63  }
0x94: {  	s17 =	rddreg [dreg:$0x10];
	s18 =	simm.s32 $0x680  }
0x95: {  	[tilespmem:s18], [sflag:$0x6] =	stream.linear.gather [hbm4b:s17+s4], $0x28, $0x38;
	[tilespmem:$0x1FB80] =	vst v63  }
0x96: {  	_ =	swait.ge [sflag:s29], $0x28  }
0x97: {  	[sflag:s29] =	ssyncset.done $0x0  }
0x98: {  	[sflag:s29] =	ssyncadd.s32 $0xFFFFFFD8  }
0x99: {  	_ =	swait.ge [sflag:s29], $0x28  }
0x9a: {  	[sflag:s29] =	ssyncset.done $0x0  }
0x9b: {  	s19 =	simm.s32 $0x800;
	[sflag:s29] =	ssyncadd.s32 $0xFFFFFFD8  }
0x9c: {  	[tilespmem:s19], [sflag:$0x9] =	stream.indirect.gather [hbm4b:s1+s31], $0x80, s4, s31, $0xb8;
	[tilespmem:$0x1FB80] =	vst v63  }
0x9d: {  	_ =	swait.ge [sflag:s3], $0x28  }
0x9e: {  	[sflag:s3] =	ssyncset.done $0x0  }
0x9f: {  	[sflag:s3] =	ssyncadd.s32 $0xFFFFFFD8  }
0xa0: {  	_ =	swait.ge [sflag:s3], $0x28  }
0xa1: {  	[sflag:s3] =	ssyncset.done $0x0  }
0xa2: {  	s21 =	simm.s32 $0x1C00;
	[sflag:s3] =	ssyncadd.s32 $0xFFFFFFD8  }
0xa3: {  	[tilespmem:s21], [sflag:$0xA] =	stream.indirect.gather [hbm4b:s1+s31], $0x80, s14, s31, $0xb8;
	[tilespmem:$0x1FB80] =	vst v63  }
0xa4: {  	_ =	swait.ge [sflag:s26], $0x28  }
0xa5: {  	[sflag:s26] =	ssyncset.done $0x0  }
0xa6: {  	[sflag:s26] =	ssyncadd.s32 $0xFFFFFFD8  }
0xa7: {  	_ =	swait.ge [sflag:s26], $0x28  }
0xa8: {  	[sflag:s26] =	ssyncset.done $0x0  }
0xa9: {  	s22 =	simm.s32 $0x3000;
	[sflag:s26] =	ssyncadd.s32 $0xFFFFFFD8  }
0xaa: {  	[tilespmem:s22], [sflag:$0xB] =	stream.indirect.gather [hbm4b:s1+s31], $0x80, s28, s31, $0xb8;
	[tilespmem:$0x1FB80] =	vst v63  }
0xab: {  	_ =	swait.ge [sflag:s24], $0x28  }
0xac: {  	[sflag:s24] =	ssyncset.done $0x0  }
0xad: {  	[sflag:s24] =	ssyncadd.s32 $0xFFFFFFD8  }
0xae: {  	_ =	swait.ge [sflag:s24], $0x28  }
0xaf: {  	[sflag:s24] =	ssyncset.done $0x0  }
0xb0: {  	s25 =	simm.s32 $0x4400;
	[sflag:s24] =	ssyncadd.s32 $0xFFFFFFD8  }
0xb1: {  	[tilespmem:s25], [sflag:$0xC] =	stream.indirect.gather [hbm4b:s1+s31], $0x80, s30, s31, $0xb8;
	[tilespmem:$0x1FB80] =	vst v63  }
0xb2: {  	_ =	swait.ge [sflag:s0], $0x400  }
0xb3: {  	s11 =	simm.s32 $0x4E;
	[sflag:s0] =	ssyncset.done $0x0  }
.LBB2_6:
0xb4: {  	p0 =	sne.s32 s11, $0x1;
	s11 =	sadd.s32 $0xFFFFFFFF, s11;
	[sflag:s0] =	ssyncadd.s32 $0xFFFFFC00  }
.Ltmp4:
0xb5: {  	(pc) =	sbr.rel @p0 .LBB2_6-.Ltmp4, $3  }
0xb6: {  	_ =	sdelay $0x1  }
0xb7: {  	_ =	swait.ge [sflag:s0], $0x400  }
0xb8: {  	[sflag:s0] =	ssyncset.done $0x0  }
.Ltmp5:
0xb9: {  	(pc) =	sbr.rel .LBB2_8-.Ltmp5, $4  }
0xba: {  	_ = 	snop  }
0xbb: {  	[sflag:s0] =	ssyncadd.s32 $0xFFFFFC00  }
0xbc: {  	s11 =	simm.s32 $0x0;
	[bflag:$0x0] =	sbarrier.arrive $0xFFFF  }
0xbd: {  	s22 =	smov.u32 s12;
	s21 =	smov.u32 s13;
	s14 =	simm.s32 $0x0  }
.LBB2_9:
0xbe: {  	s16 =	sadd.s32 $0x6, s14  }
0xbf: {  	s16 =	sand.u32 $0x7, s16  }
0xc0: {  	s17 =	sadd.s32 $0x1, s16;
	s16 =	sshll.u32 s16, $0x7  }
0xc1: {  	[tilespmem:s16], [sflag:s17] =	stream.linear.gather [hbm4b:s22+s4], $0x28, $0x38;
	[tilespmem:$0x1FB80] =	vst v63  }
0xc2: {  	s16 =	sor.u32 $0x400, s16  }
0xc3: {  	[tilespmem:s16], [sflag:s17] =	stream.linear.gather [hbm4b:s21+s4], $0x28, $0x38;
	[tilespmem:$0x1FB80] =	vst v63  }
.LBB2_11:
0xc4: {  	s16 =	sadd.s32 $0x4, s14  }
0xc5: {  	s17 =	smul.u32 $0x25, s16;
	_ =	sdelay $0x1  }
0xc6: {  	s17 =	sshrl.u32 s17, $0x8  }
0xc7: {  	s18 =	ssub.s32 s16, s17  }
0xc8: {  	s18 =	sand.u32 $0xFE, s18  }
0xc9: {  	s18 =	sshrl.u32 s18, $0x1  }
0xca: {  	s17 =	sadd.s32 s17, s18  }
0xcb: {  	s17 =	sand.u32 $0xFC, s17  }
0xcc: {  	s17 =	sshrl.u32 s17, $0x2  }
0xcd: {  	s18 =	sand.u32 $0x7, s16;
	s17 =	smul.u32 $0x7, s17  }
0xce: {  	s19 =	sadd.s32 $0x1, s18  }
0xcf: {  	_ =	swait.ge [sflag:s19], $0x28;
	s16 =	ssub.s32 s16, s17  }
0xd0: {  	[sflag:s19] =	ssyncset.done $0x0;
	s16 =	sand.u32 $0xFF, s16  }
0xd1: {  	[sflag:s19] =	ssyncadd.s32 $0xFFFFFFD8;
	s25 =	smul.u32 $0x5000, s16  }
0xd2: {  	_ =	swait.ge [sflag:s19], $0x28  }
0xd3: {  	s18 =	sshll.u32 s18, $0x7;
	[sflag:s19] =	ssyncset.done $0x0;
	s17 =	sshrl.u32 s25, $0x2  }
0xd4: {  	[sflag:s19] =	ssyncadd.s32 $0xFFFFFFD8;
	s16 =	sadd.s32 $0x9, s16;
	s17 =	sadd.s32 $0x800, s17  }
0xd5: {  	[tilespmem:s17], [sflag:s16] =	stream.indirect.gather [hbm4b:s1+s31], $0x80, s18, s31, $0xb8;
	[tilespmem:$0x1FB80] =	vst v63  }
.LBB2_12:
0xd6: {  	v2 =	vld [tilespmem:s15+$0x400];
	_ =	sdelay $0x7  }
0xd7: {  	[tilespmem:v2+s6+$0x0] =	vst.idx.add.f32.msk $0xffff, v1  }
0xd8: {  	v2 =	vld [tilespmem:s15+$0x410];
	_ =	sdelay $0x7  }
0xd9: {  	[tilespmem:v2+s6+$0x0] =	vst.idx.add.f32.msk $0xffff, v1  }
0xda: {  	v2 =	vld [tilespmem:s15+$0x418];
	_ =	sdelay $0x1  }
0xdb: {  	s14 =	sadd.s32 $0x1, s14  }
0xdc: {  	p0 =	sne.s32 s14, $0xFA  }
.Ltmp6:
0xdd: {  	_ = 	snop;
	(pc) =	sbr.rel @!p0 .LBB2_13-.Ltmp6, $2  }
0xde: {  	_ =	sdelay $0x2  }
0xdf: {  	s21 =	sadd.s32 $0x5, s21;
	s22 =	sadd.s32 $0x5, s22;
	s11 =	sadd.s32 $0x80, s11;
	[tilespmem:v2+s6+$0x0] =	vst.idx.add.f32.msk vm0, v1  }
.LBB2_8:
0xe0: {  	s15 =	smul.u32 $0x25, s14;
	_ =	sdelay $0x1  }
0xe1: {  	s15 =	sshrl.u32 s15, $0x8  }
0xe2: {  	s16 =	ssub.s32 s14, s15  }
0xe3: {  	s16 =	sand.u32 $0xFE, s16  }
0xe4: {  	s16 =	sshrl.u32 s16, $0x1  }
0xe5: {  	s15 =	sadd.s32 s15, s16  }
0xe6: {  	p0 =	slt.u32 s14, $0x2;
	s15 =	sand.u32 $0xFC, s15  }
0xe7: {  	s16 =	sadd.s32 @!p0 $0xFFFFFFFE, s14;
	s15 =	sshrl.u32 s15, $0x2  }
0xe8: {  	s17 =	sand.u32 @!p0 $0xFF, s16;
	s15 =	smul.u32 $0x7, s15  }
0xe9: {  	s17 =	smul.u32 @!p0 $0x25, s17  }
0xea: {  	s15 =	ssub.s32 s14, s15  }
0xeb: {  	s18 =	sand.u32 $0xFF, s15;
	s15 =	sshrl.u32 @!p0 s17, $0x8  }
0xec: {  	p1 =	sgt.u32 @!p0 s14, $0xF3;
	s19 =	ssub.s32 @!p0 s16, s15  }
0xed: {  	s17 =	sadd.s32 $0x9, s18;
	s25 =	smul.u32 $0x5000, s18;
	s19 =	sand.u32 @!p0 $0xFE, s19  }
0xee: {  	s18 =	sor.u32 $0x10, s18;
	_ =	swait.ge [sflag:s17], $0x1400;
	s19 =	sshrl.u32 @!p0 s19, $0x1  }
0xef: {  	[sflag:s17] =	ssyncset.done $0x0;
	s25 =	sshrl.u32 s25, $0x2;
	s19 =	sadd.s32 @!p0 s15, s19  }
0xf0: {  	[sflag:s17] =	ssyncadd.s32 $0xFFFFEC00;
	s15 =	sand.u32 $0x380, s11;
	s19 =	sshrl.u32 @!p0 s19, $0x2  }
0xf1: {  	s17 =	sadd.s32 $0x800, s25;
	s25 =	sor.u32 $0x400, s15;
	s19 =	smul.u32 @!p0 $0x7, s19  }
0xf2: {  	[spmem:s2] =	stream.indirect.scatter.add.f32 [tilespmem:s17], [sflag:s18], $0x80, s25, s31, $0xb8;
	[tilespmem:$0x1FB80] =	vst v63  }
0xf3: {  	p1 =	por p0, !p1;
	s16 =	ssub.s32 @!p0 s16, s19  }
.Ltmp7:
0xf4: {  	s16 =	sor.u32 @!p0 $0x10, s16;
	(pc) =	sbr.rel @p1 .LBB2_9-.Ltmp7, $4  }
0xf5: {  	s16 =	sand.u32 @!p0 $0xFF, s16  }
0xf6: {  	_ =	swait.ge @!p0 [sflag:s16], $0x1400  }
0xf7: {  	[sflag:s16] =	ssyncset.done @!p0 $0x0  }
0xf8: {  	[sflag:s16] =	ssyncadd.s32 @!p0 $0xFFFFEC00  }
0xf9: {  	p0 =	sgt.u32 s14, $0xF5  }
.Ltmp8:
0xfa: {  	_ = 	snop;
	(pc) =	sbr.rel @p0 .LBB2_12-.Ltmp8, $4  }
.Ltmp9:
0xfb: {  	_ = 	snop;
	(pc) =	sbr.rel @!p0 .LBB2_11-.Ltmp9, $4  }
0xfc: {  	_ = 	snop  }
0xfd: {  	_ = 	snop  }
0xfe: {  	_ = 	snop  }
0xff: {  	_ = 	snop  }
.LBB2_14:
0x100: {  	_ =	sfence.sel $0x180000  }
0x101: {  	[bflag:$0x0] =	sbarrier.arrive $0xFFFF  }
0x102: {  	_ =	strace $0x90000047  }
0x103: {  	s0 =	stileid.u32;
	[bflag:$0x2] =	sbarrier.arrive $0xFFFF  }
0x104: {  	p0 =	sne.s32 s0, $0x0;
	s0 =	rddreg [dreg:$0x4]  }
0x105: {  	s0 =	sadd.s32 @!p0 $0x100000, s0  }
0x106: {  	[sflag:s0] =	ssyncadd.tile.s32 @!p0 $0x1;
	_ =	shalt  }
.Lfunc_end2:
_tile_overlayer_lowered:
.L_overlay_start_2:
0x107: {  	(tag) =	ssettag $0x2  }
0x108: {  	s0 =	rddreg [dreg:$0x0];
	s2 =	stileid.u32  }
0x109: {  	s1 =	rddreg [dreg:$0x1];
	p0 =	sne.s32 s2, $0x0  }
0x10a: {  	s3 =	rddreg [dreg:$0x2];
	[bflag:$0x3] =	sbarrier.arrive $0xFFFF;
	s2 =	simm.s32 @!p0 $0x1C18  }
0x10b: {  	[timem:s3], [sflag:s2] =	dma.local @!p0 [hbm:s0], s1  }
0x10c: {  	s0 =	simm.s32 @!p0 $0x18  }
0x10d: {  	_ =	swait.ge @!p0 [sflag:s0], s1  }
0x10e: {  	s1 =	ssub.s32 @!p0 $0x0, s1;
	[sflag:s0] =	ssyncset.done @!p0 $0x0  }
0x10f: {  	[sflag:s0] =	ssyncadd.s32 @!p0 s1  }
0x110: {  	[bflag:$0x3] =	sbarrier.arrive $0xFFFF  }
0x111: {  	_ =	shalt  }

</sc_bundles>
